<compile_context>
chip_gen: v7x
topology: tpu7x:2x2x1
jax: 0.10.2.dev20260603
libtpu: 0.0.44.dev20260713+nightly
codegen_flags: <defaults>
</compile_context>

<pallas_src>
import jax
import jax.numpy as jnp
from jax import lax
from jax.experimental import pallas as pl
from jax.experimental.pallas import tpu as pltpu
from jax.experimental.pallas import tpu_sc as plsc

N_BUCKETS = 8192
BS = 1048576
L = 16
NW = 32
PER_W = BS // NW
CHUNK = 8192
N_CHUNKS = PER_W // CHUNK
INV_N = 1.0 / N_BUCKETS


def _sampler_body(logits_hbm, ids_hbm, u_hbm, t_hbm, p_hbm,
                  h_v, ids_v0, ids_v1, u_v0, u_v1, t_v0, t_v1, p_v0, p_v1,
                  sem_h, in_sem0, in_sem1, out_sem0, out_sem1):
    wid = lax.axis_index("s") * 2 + lax.axis_index("c")
    base = wid * PER_W
    ids_bufs = (ids_v0, ids_v1)
    u_bufs = (u_v0, u_v1)
    t_bufs = (t_v0, t_v1)
    p_bufs = (p_v0, p_v1)
    in_sems = (in_sem0, in_sem1)
    out_sems = (out_sem0, out_sem1)

    h_cp = pltpu.async_copy(logits_hbm, h_v, sem_h)

    def start_in(ci):
        b = ci % 2
        off = base + ci * CHUNK
        return (pltpu.async_copy(ids_hbm.at[pl.ds(off, CHUNK)], ids_bufs[b], in_sems[b]),
                pltpu.async_copy(u_hbm.at[pl.ds(off, CHUNK)], u_bufs[b], in_sems[b]))

    in_cp = start_in(0)
    h_cp.wait()

    def max_body(i, m_vec):
        return jnp.maximum(m_vec, h_v[pl.ds(i * L, L)])

    m_vec = lax.fori_loop(0, N_BUCKETS // L, max_body,
                          jnp.full((L,), -jnp.inf, jnp.float32), unroll=8)
    m = jnp.max(m_vec)

    def exp_body(i, s_vec):
        sl = pl.ds(i * L, L)
        e = jnp.exp(h_v[sl] - m)
        h_v[sl] = e
        return s_vec + e

    s_vec = lax.fori_loop(0, N_BUCKETS // L, exp_body,
                          jnp.zeros((L,), jnp.float32), unroll=8)
    scale = jnp.full((L,), float(N_BUCKETS), jnp.float32) / jnp.broadcast_to(
        jnp.sum(s_vec), (L,))

    out_cp = [None, None]
    for ci in range(N_CHUNKS):
        b = ci % 2
        next_in = start_in(ci + 1) if ci + 1 < N_CHUNKS else None
        for cp in in_cp:
            cp.wait()
        if out_cp[b] is not None:
            for cp in out_cp[b]:
                cp.wait()
        ids_b, u_b, t_b, p_b = ids_bufs[b], u_bufs[b], t_bufs[b], p_bufs[b]

        @plsc.parallel_loop(0, CHUNK, step=L, unroll=8)
        def _compute(i):
            s = ids_b[pl.ds(i, L)].astype(jnp.float32) + u_b[pl.ds(i, L)]
            t_b[pl.ds(i, L)] = s * INV_N
            idx = jnp.minimum(s.astype(jnp.int32), N_BUCKETS - 1)
            p_b[pl.ds(i, L)] = plsc.load_gather(h_v, [idx]) * scale

        off = base + ci * CHUNK
        out_cp[b] = (pltpu.async_copy(t_b, t_hbm.at[pl.ds(off, CHUNK)], out_sems[b]),
                     pltpu.async_copy(p_b, p_hbm.at[pl.ds(off, CHUNK)], out_sems[b]))
        if next_in is not None:
            in_cp = next_in
    for pair in out_cp:
        if pair is not None:
            for cp in pair:
                cp.wait()


def kernel(logits, ids, u):
    sampler = pl.kernel(
        _sampler_body,
        out_type=[jax.ShapeDtypeStruct((BS,), jnp.float32),
                  jax.ShapeDtypeStruct((BS,), jnp.float32)],
        mesh=plsc.VectorSubcoreMesh(core_axis_name="c", subcore_axis_name="s"),
        compiler_params=pltpu.CompilerParams(needs_layout_passes=False),
        scratch_types=[
            pltpu.VMEM((N_BUCKETS,), jnp.float32),
            pltpu.VMEM((CHUNK,), jnp.int32),
            pltpu.VMEM((CHUNK,), jnp.int32),
            pltpu.VMEM((CHUNK,), jnp.float32),
            pltpu.VMEM((CHUNK,), jnp.float32),
            pltpu.VMEM((CHUNK,), jnp.float32),
            pltpu.VMEM((CHUNK,), jnp.float32),
            pltpu.VMEM((CHUNK,), jnp.float32),
            pltpu.VMEM((CHUNK,), jnp.float32),
            pltpu.SemaphoreType.DMA,
            pltpu.SemaphoreType.DMA,
            pltpu.SemaphoreType.DMA,
            pltpu.SemaphoreType.DMA,
            pltpu.SemaphoreType.DMA,
        ],
    )
    t, p = sampler(logits, ids, u)
    return (t[:, None], p)

# --- scband reference (transcript-rebuilt; emitter-appended) ---
"""Pipeline reference for scband-bucket-sampler-57578331570605 (READ-ONLY COPY).

The authoritative reference and input builder live on the scoring server;
editing this copy changes nothing except your own understanding.
"""

import jax, jax.numpy as jnp
import numpy as np

N_BUCKETS = 8192
BS = 1048576


def setup_inputs(seed: int = 0) -> dict:
    key = jax.random.key(seed)
    k1, k2 = jax.random.split(key)
    # learned parameter of BucketSampler (initialized to ones, as in __init__)
    logits = jnp.ones((N_BUCKETS,), dtype=jnp.float32)
    # Categorical draw over buckets. Since logits are initialized to ones the
    # categorical distribution is uniform, so randint is an exact equivalent draw.
    ids = jax.random.randint(k1, (BS,), 0, N_BUCKETS)
    # Uniform(0,1) draw used for the within-bucket offset (torch D.Uniform.sample)
    u = jax.random.uniform(k2, (BS,), dtype=jnp.float32)
    return {"logits": logits, "ids": ids, "u": u}


def reference(logits, ids, u):
    n = logits.shape[0]
    # concrete realization of the abstract properties:
    #   _bucket_prob  = softmax(logits)  (normalized bucket probabilities)
    #   _bucket_width = 1/n (equal-width buckets on [0, 1])
    bucket_prob = jax.nn.softmax(logits)
    bucket_width = jnp.ones_like(logits) / n
    bucket_height = bucket_prob / bucket_width
    # _bucket_bounds
    b_r = jnp.cumsum(bucket_width, axis=0)
    b_l = jnp.concatenate([jnp.zeros((1,), dtype=bucket_width.dtype), b_r[:-1]])
    # sample(bs): t = b_l[ids] + (b_r - b_l)[ids] * u ; t -> [bs, 1]
    t = jnp.take(b_l, ids, axis=0) + jnp.take(b_r - b_l, ids, axis=0) * u
    t = t[:, None]
    # prob(t): sort, searchsorted into left bucket bounds, gather heights, unsort
    tf = t.flatten()
    order = jnp.argsort(tf)
    ts = jnp.take(tf, order, axis=0)
    inv = jnp.argsort(order)
    ids_p = jnp.searchsorted(b_l, ts, side='right') - 1
    ids_p = jnp.clip(ids_p, 0, n - 1)
    p = jnp.take(bucket_height, ids_p, axis=0)
    p = jnp.take(p, inv, axis=0)
    return (t, p)

if __name__ == "__main__":
    import jax
    _d = setup_inputs()
    print(jax.jit(kernel)(*tuple(_d.values())))

</pallas_src>

<mosaic_0001>
#map = affine_map<(d0, d1) -> (0)>
module attributes {stable_mosaic.version = 14 : i64} {
  func.func @_sampler_body(%arg0: i32, %arg1: i32, %arg2: memref<8192xf32, #tpu.memory_space<hbm>>, %arg3: memref<1048576xi32, #tpu.memory_space<hbm>>, %arg4: memref<1048576xf32, #tpu.memory_space<hbm>>, %arg5: memref<1048576xf32, #tpu.memory_space<hbm>>, %arg6: memref<1048576xf32, #tpu.memory_space<hbm>>, %arg7: memref<8192xf32, #tpu.memory_space<vmem>>, %arg8: memref<8192xi32, #tpu.memory_space<vmem>>, %arg9: memref<8192xi32, #tpu.memory_space<vmem>>, %arg10: memref<8192xf32, #tpu.memory_space<vmem>>, %arg11: memref<8192xf32, #tpu.memory_space<vmem>>, %arg12: memref<8192xf32, #tpu.memory_space<vmem>>, %arg13: memref<8192xf32, #tpu.memory_space<vmem>>, %arg14: memref<8192xf32, #tpu.memory_space<vmem>>, %arg15: memref<8192xf32, #tpu.memory_space<vmem>>, %arg16: memref<!tpu.dma_semaphore, #tpu.memory_space<semaphore_mem>>, %arg17: memref<!tpu.dma_semaphore, #tpu.memory_space<semaphore_mem>>, %arg18: memref<!tpu.dma_semaphore, #tpu.memory_space<semaphore_mem>>, %arg19: memref<!tpu.dma_semaphore, #tpu.memory_space<semaphore_mem>>, %arg20: memref<!tpu.dma_semaphore, #tpu.memory_space<semaphore_mem>>) attributes {dimension_semantics = [#tpu.dimension_semantics<core_parallel>, #tpu.dimension_semantics<subcore_parallel>], iteration_bounds = array<i64: 2, 16>, scalar_prefetch = 0 : i64, scratch_operands = 14 : i64, tpu.core_type = #tpu.core_type<sc_vector_subcore>, window_params = [{transform_indices = #map}, {transform_indices = #map}, {transform_indices = #map}, {transform_indices = #map}, {transform_indices = #map}]} {
    %mul3A = arith.constant 2 : i32
    %mul3A_0 = arith.muli %arg1, %mul3A : i32
    %add3A = arith.addi %mul3A_0, %arg0 : i32
    %mul3A_1 = arith.constant 32768 : i32
    %mul3A_2 = arith.muli %add3A, %mul3A_1 : i32
    tpu.enqueue_dma source(%arg2 : memref<8192xf32, #tpu.memory_space<hbm>>) target(%arg7 : memref<8192xf32, #tpu.memory_space<vmem>>) target_semaphore(%arg16 : memref<!tpu.dma_semaphore, #tpu.memory_space<semaphore_mem>>)
    %add3A_3 = arith.constant 0 : i32
    %add3A_4 = arith.addi %mul3A_2, %add3A_3 : i32
    %dma_start3A = tpu.memref_slice %arg3[%add3A_4] : memref<1048576xi32, #tpu.memory_space<hbm>> -> memref<8192xi32, #tpu.memory_space<hbm>>
    %dma_start3A_5 = tpu.memref_slice %arg3[%add3A_4] : memref<1048576xi32, #tpu.memory_space<hbm>> -> memref<8192xi32, #tpu.memory_space<hbm>>
    tpu.enqueue_dma source(%dma_start3A_5 : memref<8192xi32, #tpu.memory_space<hbm>>) target(%arg8 : memref<8192xi32, #tpu.memory_space<vmem>>) target_semaphore(%arg17 : memref<!tpu.dma_semaphore, #tpu.memory_space<semaphore_mem>>)
    %dma_start3A_6 = tpu.memref_slice %arg4[%add3A_4] : memref<1048576xf32, #tpu.memory_space<hbm>> -> memref<8192xf32, #tpu.memory_space<hbm>>
    %dma_start3A_7 = tpu.memref_slice %arg4[%add3A_4] : memref<1048576xf32, #tpu.memory_space<hbm>> -> memref<8192xf32, #tpu.memory_space<hbm>>
    tpu.enqueue_dma source(%dma_start3A_7 : memref<8192xf32, #tpu.memory_space<hbm>>) target(%arg10 : memref<8192xf32, #tpu.memory_space<vmem>>) target_semaphore(%arg17 : memref<!tpu.dma_semaphore, #tpu.memory_space<semaphore_mem>>)
    tpu.wait_dma2 semaphore(%arg16 : memref<!tpu.dma_semaphore, #tpu.memory_space<semaphore_mem>>) src(%arg2 : memref<8192xf32, #tpu.memory_space<hbm>>) dst(%arg7 : memref<8192xf32, #tpu.memory_space<vmem>>)
    %broadcast_in_dim3A = arith.constant 0xFF800000 : f32
    %broadcast_in_dim3A_8 = vector.broadcast %broadcast_in_dim3A : f32 to vector<16xf32>
    %scan3A = arith.constant 0 : i32
    %scan3A_9 = arith.constant 512 : i32
    %scan3A_10 = arith.addi %scan3A, %scan3A_9 : i32
    %scan3A_11 = arith.constant 8 : i32
    %scan3A_12 = scf.for %scan3A_115 = %scan3A to %scan3A_10 step %scan3A_11 iter_args(%scan3A_116 = %broadcast_in_dim3A_8) -> (vector<16xf32>)  : i32 {
      %mul3A_117 = arith.constant 16 : i32
      %mul3A_118 = arith.muli %scan3A_115, %mul3A_117 : i32
      %get3A = arith.index_cast %mul3A_118 : i32 to index
      %get3A_119 = tpu.vector_load %arg7[%get3A] {strides = array<i32>} : memref<8192xf32, #tpu.memory_space<vmem>>, vector<16xf32>,
      %max3A = arith.maximumf %scan3A_116, %get3A_119 : vector<16xf32>
      %scan3A_120 = arith.constant 1 : i32
      %scan3A_121 = arith.addi %scan3A_115, %scan3A_120 : i32
      %mul3A_122 = arith.constant 16 : i32
      %mul3A_123 = arith.muli %scan3A_121, %mul3A_122 : i32
      %get3A_124 = arith.index_cast %mul3A_123 : i32 to index
      %get3A_125 = tpu.vector_load %arg7[%get3A_124] {strides = array<i32>} : memref<8192xf32, #tpu.memory_space<vmem>>, vector<16xf32>,
      %max3A_126 = arith.maximumf %max3A, %get3A_125 : vector<16xf32>
      %scan3A_127 = arith.constant 2 : i32
      %scan3A_128 = arith.addi %scan3A_115, %scan3A_127 : i32
      %mul3A_129 = arith.constant 16 : i32
      %mul3A_130 = arith.muli %scan3A_128, %mul3A_129 : i32
      %get3A_131 = arith.index_cast %mul3A_130 : i32 to index
      %get3A_132 = tpu.vector_load %arg7[%get3A_131] {strides = array<i32>} : memref<8192xf32, #tpu.memory_space<vmem>>, vector<16xf32>,
      %max3A_133 = arith.maximumf %max3A_126, %get3A_132 : vector<16xf32>
      %scan3A_134 = arith.constant 3 : i32
      %scan3A_135 = arith.addi %scan3A_115, %scan3A_134 : i32
      %mul3A_136 = arith.constant 16 : i32
      %mul3A_137 = arith.muli %scan3A_135, %mul3A_136 : i32
      %get3A_138 = arith.index_cast %mul3A_137 : i32 to index
      %get3A_139 = tpu.vector_load %arg7[%get3A_138] {strides = array<i32>} : memref<8192xf32, #tpu.memory_space<vmem>>, vector<16xf32>,
      %max3A_140 = arith.maximumf %max3A_133, %get3A_139 : vector<16xf32>
      %scan3A_141 = arith.constant 4 : i32
      %scan3A_142 = arith.addi %scan3A_115, %scan3A_141 : i32
      %mul3A_143 = arith.constant 16 : i32
      %mul3A_144 = arith.muli %scan3A_142, %mul3A_143 : i32
      %get3A_145 = arith.index_cast %mul3A_144 : i32 to index
      %get3A_146 = tpu.vector_load %arg7[%get3A_145] {strides = array<i32>} : memref<8192xf32, #tpu.memory_space<vmem>>, vector<16xf32>,
      %max3A_147 = arith.maximumf %max3A_140, %get3A_146 : vector<16xf32>
      %scan3A_148 = arith.constant 5 : i32
      %scan3A_149 = arith.addi %scan3A_115, %scan3A_148 : i32
      %mul3A_150 = arith.constant 16 : i32
      %mul3A_151 = arith.muli %scan3A_149, %mul3A_150 : i32
      %get3A_152 = arith.index_cast %mul3A_151 : i32 to index
      %get3A_153 = tpu.vector_load %arg7[%get3A_152] {strides = array<i32>} : memref<8192xf32, #tpu.memory_space<vmem>>, vector<16xf32>,
      %max3A_154 = arith.maximumf %max3A_147, %get3A_153 : vector<16xf32>
      %scan3A_155 = arith.constant 6 : i32
      %scan3A_156 = arith.addi %scan3A_115, %scan3A_155 : i32
      %mul3A_157 = arith.constant 16 : i32
      %mul3A_158 = arith.muli %scan3A_156, %mul3A_157 : i32
      %get3A_159 = arith.index_cast %mul3A_158 : i32 to index
      %get3A_160 = tpu.vector_load %arg7[%get3A_159] {strides = array<i32>} : memref<8192xf32, #tpu.memory_space<vmem>>, vector<16xf32>,
      %max3A_161 = arith.maximumf %max3A_154, %get3A_160 : vector<16xf32>
      %scan3A_162 = arith.constant 7 : i32
      %scan3A_163 = arith.addi %scan3A_115, %scan3A_162 : i32
      %mul3A_164 = arith.constant 16 : i32
      %mul3A_165 = arith.muli %scan3A_163, %mul3A_164 : i32
      %get3A_166 = arith.index_cast %mul3A_165 : i32 to index
      %get3A_167 = tpu.vector_load %arg7[%get3A_166] {strides = array<i32>} : memref<8192xf32, #tpu.memory_space<vmem>>, vector<16xf32>,
      %max3A_168 = arith.maximumf %max3A_161, %get3A_167 : vector<16xf32>
      scf.yield %max3A_168 : vector<16xf32>
    }
    %scan3A_13 = arith.constant 512 : i32
    %reduce_max3A = arith.constant true
    %reduce_max3A_14 = vector.broadcast %reduce_max3A : i1 to vector<16xi1>
    %reduce_max3A_15 = tpu.scan <max>, %scan3A_12 masked %reduce_max3A_14 : vector<16xf32>, vector<16xi1> -> vector<16xf32>
    %reduce_max3A_16 = vector.extract %reduce_max3A_15[15] : f32 from vector<16xf32>
    %broadcast_in_dim3A_17 = arith.constant 0.000000e+00 : f32
    %broadcast_in_dim3A_18 = vector.broadcast %broadcast_in_dim3A_17 : f32 to vector<16xf32>
    %scan3A_19 = arith.constant 0 : i32
    %scan3A_20 = arith.constant 512 : i32
    %scan3A_21 = arith.addi %scan3A_19, %scan3A_20 : i32
    %scan3A_22 = arith.constant 8 : i32
    %scan3A_23 = scf.for %scan3A_115 = %scan3A_19 to %scan3A_21 step %scan3A_22 iter_args(%scan3A_116 = %broadcast_in_dim3A_18) -> (vector<16xf32>)  : i32 {
      %mul3A_117 = arith.constant 16 : i32
      %mul3A_118 = arith.muli %scan3A_115, %mul3A_117 : i32
      %get3A = arith.index_cast %mul3A_118 : i32 to index
      %get3A_119 = tpu.vector_load %arg7[%get3A] {strides = array<i32>} : memref<8192xf32, #tpu.memory_space<vmem>>, vector<16xf32>,
      %sub3A = vector.broadcast %reduce_max3A_16 : f32 to vector<16xf32>
      %sub3A_120 = arith.subf %get3A_119, %sub3A : vector<16xf32>
      %exp3A = math.exp %sub3A_120 : vector<16xf32>
      %swap3A = arith.index_cast %mul3A_118 : i32 to index
      %swap3A_121 = tpu.vector_load %arg7[%swap3A] {strides = array<i32>} : memref<8192xf32, #tpu.memory_space<vmem>>, vector<16xf32>,
      tpu.vector_store %arg7[%swap3A], %exp3A {strides = array<i32>} : memref<8192xf32, #tpu.memory_space<vmem>>, vector<16xf32>,
      %add3A_122 = arith.addf %scan3A_116, %exp3A : vector<16xf32>
      %scan3A_123 = arith.constant 1 : i32
      %scan3A_124 = arith.addi %scan3A_115, %scan3A_123 : i32
      %mul3A_125 = arith.constant 16 : i32
      %mul3A_126 = arith.muli %scan3A_124, %mul3A_125 : i32
      %get3A_127 = arith.index_cast %mul3A_126 : i32 to index
      %get3A_128 = tpu.vector_load %arg7[%get3A_127] {strides = array<i32>} : memref<8192xf32, #tpu.memory_space<vmem>>, vector<16xf32>,
      %sub3A_129 = vector.broadcast %reduce_max3A_16 : f32 to vector<16xf32>
      %sub3A_130 = arith.subf %get3A_128, %sub3A_129 : vector<16xf32>
      %exp3A_131 = math.exp %sub3A_130 : vector<16xf32>
      %swap3A_132 = arith.index_cast %mul3A_126 : i32 to index
      %swap3A_133 = tpu.vector_load %arg7[%swap3A_132] {strides = array<i32>} : memref<8192xf32, #tpu.memory_space<vmem>>, vector<16xf32>,
      tpu.vector_store %arg7[%swap3A_132], %exp3A_131 {strides = array<i32>} : memref<8192xf32, #tpu.memory_space<vmem>>, vector<16xf32>,
      %add3A_134 = arith.addf %add3A_122, %exp3A_131 : vector<16xf32>
      %scan3A_135 = arith.constant 2 : i32
      %scan3A_136 = arith.addi %scan3A_115, %scan3A_135 : i32
      %mul3A_137 = arith.constant 16 : i32
      %mul3A_138 = arith.muli %scan3A_136, %mul3A_137 : i32
      %get3A_139 = arith.index_cast %mul3A_138 : i32 to index
      %get3A_140 = tpu.vector_load %arg7[%get3A_139] {strides = array<i32>} : memref<8192xf32, #tpu.memory_space<vmem>>, vector<16xf32>,
      %sub3A_141 = vector.broadcast %reduce_max3A_16 : f32 to vector<16xf32>
      %sub3A_142 = arith.subf %get3A_140, %sub3A_141 : vector<16xf32>
      %exp3A_143 = math.exp %sub3A_142 : vector<16xf32>
      %swap3A_144 = arith.index_cast %mul3A_138 : i32 to index
      %swap3A_145 = tpu.vector_load %arg7[%swap3A_144] {strides = array<i32>} : memref<8192xf32, #tpu.memory_space<vmem>>, vector<16xf32>,
      tpu.vector_store %arg7[%swap3A_144], %exp3A_143 {strides = array<i32>} : memref<8192xf32, #tpu.memory_space<vmem>>, vector<16xf32>,
      %add3A_146 = arith.addf %add3A_134, %exp3A_143 : vector<16xf32>
      %scan3A_147 = arith.constant 3 : i32
      %scan3A_148 = arith.addi %scan3A_115, %scan3A_147 : i32
      %mul3A_149 = arith.constant 16 : i32
      %mul3A_150 = arith.muli %scan3A_148, %mul3A_149 : i32
      %get3A_151 = arith.index_cast %mul3A_150 : i32 to index
      %get3A_152 = tpu.vector_load %arg7[%get3A_151] {strides = array<i32>} : memref<8192xf32, #tpu.memory_space<vmem>>, vector<16xf32>,
      %sub3A_153 = vector.broadcast %reduce_max3A_16 : f32 to vector<16xf32>
      %sub3A_154 = arith.subf %get3A_152, %sub3A_153 : vector<16xf32>
      %exp3A_155 = math.exp %sub3A_154 : vector<16xf32>
      %swap3A_156 = arith.index_cast %mul3A_150 : i32 to index
      %swap3A_157 = tpu.vector_load %arg7[%swap3A_156] {strides = array<i32>} : memref<8192xf32, #tpu.memory_space<vmem>>, vector<16xf32>,
      tpu.vector_store %arg7[%swap3A_156], %exp3A_155 {strides = array<i32>} : memref<8192xf32, #tpu.memory_space<vmem>>, vector<16xf32>,
      %add3A_158 = arith.addf %add3A_146, %exp3A_155 : vector<16xf32>
      %scan3A_159 = arith.constant 4 : i32
      %scan3A_160 = arith.addi %scan3A_115, %scan3A_159 : i32
      %mul3A_161 = arith.constant 16 : i32
      %mul3A_162 = arith.muli %scan3A_160, %mul3A_161 : i32
      %get3A_163 = arith.index_cast %mul3A_162 : i32 to index
      %get3A_164 = tpu.vector_load %arg7[%get3A_163] {strides = array<i32>} : memref<8192xf32, #tpu.memory_space<vmem>>, vector<16xf32>,
      %sub3A_165 = vector.broadcast %reduce_max3A_16 : f32 to vector<16xf32>
      %sub3A_166 = arith.subf %get3A_164, %sub3A_165 : vector<16xf32>
      %exp3A_167 = math.exp %sub3A_166 : vector<16xf32>
      %swap3A_168 = arith.index_cast %mul3A_162 : i32 to index
      %swap3A_169 = tpu.vector_load %arg7[%swap3A_168] {strides = array<i32>} : memref<8192xf32, #tpu.memory_space<vmem>>, vector<16xf32>,
      tpu.vector_store %arg7[%swap3A_168], %exp3A_167 {strides = array<i32>} : memref<8192xf32, #tpu.memory_space<vmem>>, vector<16xf32>,
      %add3A_170 = arith.addf %add3A_158, %exp3A_167 : vector<16xf32>
      %scan3A_171 = arith.constant 5 : i32
      %scan3A_172 = arith.addi %scan3A_115, %scan3A_171 : i32
      %mul3A_173 = arith.constant 16 : i32
      %mul3A_174 = arith.muli %scan3A_172, %mul3A_173 : i32
      %get3A_175 = arith.index_cast %mul3A_174 : i32 to index
      %get3A_176 = tpu.vector_load %arg7[%get3A_175] {strides = array<i32>} : memref<8192xf32, #tpu.memory_space<vmem>>, vector<16xf32>,
      %sub3A_177 = vector.broadcast %reduce_max3A_16 : f32 to vector<16xf32>
      %sub3A_178 = arith.subf %get3A_176, %sub3A_177 : vector<16xf32>
      %exp3A_179 = math.exp %sub3A_178 : vector<16xf32>
      %swap3A_180 = arith.index_cast %mul3A_174 : i32 to index
      %swap3A_181 = tpu.vector_load %arg7[%swap3A_180] {strides = array<i32>} : memref<8192xf32, #tpu.memory_space<vmem>>, vector<16xf32>,
      tpu.vector_store %arg7[%swap3A_180], %exp3A_179 {strides = array<i32>} : memref<8192xf32, #tpu.memory_space<vmem>>, vector<16xf32>,
      %add3A_182 = arith.addf %add3A_170, %exp3A_179 : vector<16xf32>
      %scan3A_183 = arith.constant 6 : i32
      %scan3A_184 = arith.addi %scan3A_115, %scan3A_183 : i32
      %mul3A_185 = arith.constant 16 : i32
      %mul3A_186 = arith.muli %scan3A_184, %mul3A_185 : i32
      %get3A_187 = arith.index_cast %mul3A_186 : i32 to index
      %get3A_188 = tpu.vector_load %arg7[%get3A_187] {strides = array<i32>} : memref<8192xf32, #tpu.memory_space<vmem>>, vector<16xf32>,
      %sub3A_189 = vector.broadcast %reduce_max3A_16 : f32 to vector<16xf32>
      %sub3A_190 = arith.subf %get3A_188, %sub3A_189 : vector<16xf32>
      %exp3A_191 = math.exp %sub3A_190 : vector<16xf32>
      %swap3A_192 = arith.index_cast %mul3A_186 : i32 to index
      %swap3A_193 = tpu.vector_load %arg7[%swap3A_192] {strides = array<i32>} : memref<8192xf32, #tpu.memory_space<vmem>>, vector<16xf32>,
      tpu.vector_store %arg7[%swap3A_192], %exp3A_191 {strides = array<i32>} : memref<8192xf32, #tpu.memory_space<vmem>>, vector<16xf32>,
      %add3A_194 = arith.addf %add3A_182, %exp3A_191 : vector<16xf32>
      %scan3A_195 = arith.constant 7 : i32
      %scan3A_196 = arith.addi %scan3A_115, %scan3A_195 : i32
      %mul3A_197 = arith.constant 16 : i32
      %mul3A_198 = arith.muli %scan3A_196, %mul3A_197 : i32
      %get3A_199 = arith.index_cast %mul3A_198 : i32 to index
      %get3A_200 = tpu.vector_load %arg7[%get3A_199] {strides = array<i32>} : memref<8192xf32, #tpu.memory_space<vmem>>, vector<16xf32>,
      %sub3A_201 = vector.broadcast %reduce_max3A_16 : f32 to vector<16xf32>
      %sub3A_202 = arith.subf %get3A_200, %sub3A_201 : vector<16xf32>
      %exp3A_203 = math.exp %sub3A_202 : vector<16xf32>
      %swap3A_204 = arith.index_cast %mul3A_198 : i32 to index
      %swap3A_205 = tpu.vector_load %arg7[%swap3A_204] {strides = array<i32>} : memref<8192xf32, #tpu.memory_space<vmem>>, vector<16xf32>,
      tpu.vector_store %arg7[%swap3A_204], %exp3A_203 {strides = array<i32>} : memref<8192xf32, #tpu.memory_space<vmem>>, vector<16xf32>,
      %add3A_206 = arith.addf %add3A_194, %exp3A_203 : vector<16xf32>
      scf.yield %add3A_206 : vector<16xf32>
    }
    %scan3A_24 = arith.constant 512 : i32
    %broadcast_in_dim3A_25 = arith.constant 8.192000e+03 : f32
    %broadcast_in_dim3A_26 = vector.broadcast %broadcast_in_dim3A_25 : f32 to vector<16xf32>
    %reduce_sum3A = arith.constant true
    %reduce_sum3A_27 = vector.broadcast %reduce_sum3A : i1 to vector<16xi1>
    %reduce_sum3A_28 = tpu.scan <sum>, %scan3A_23 masked %reduce_sum3A_27 : vector<16xf32>, vector<16xi1> -> vector<16xf32>
    %reduce_sum3A_29 = vector.extract %reduce_sum3A_28[15] : f32 from vector<16xf32>
    %broadcast_in_dim3A_30 = vector.broadcast %reduce_sum3A_29 : f32 to vector<16xf32>
    %div3A = arith.divf %broadcast_in_dim3A_26, %broadcast_in_dim3A_30 : vector<16xf32>
    %add3A_31 = arith.constant 8192 : i32
    %add3A_32 = arith.addi %mul3A_2, %add3A_31 : i32
    %dma_start3A_33 = tpu.memref_slice %arg3[%add3A_32] : memref<1048576xi32, #tpu.memory_space<hbm>> -> memref<8192xi32, #tpu.memory_space<hbm>>
    %dma_start3A_34 = tpu.memref_slice %arg3[%add3A_32] : memref<1048576xi32, #tpu.memory_space<hbm>> -> memref<8192xi32, #tpu.memory_space<hbm>>
    tpu.enqueue_dma source(%dma_start3A_34 : memref<8192xi32, #tpu.memory_space<hbm>>) target(%arg9 : memref<8192xi32, #tpu.memory_space<vmem>>) target_semaphore(%arg18 : memref<!tpu.dma_semaphore, #tpu.memory_space<semaphore_mem>>)
    %dma_start3A_35 = tpu.memref_slice %arg4[%add3A_32] : memref<1048576xf32, #tpu.memory_space<hbm>> -> memref<8192xf32, #tpu.memory_space<hbm>>
    %dma_start3A_36 = tpu.memref_slice %arg4[%add3A_32] : memref<1048576xf32, #tpu.memory_space<hbm>> -> memref<8192xf32, #tpu.memory_space<hbm>>
    tpu.enqueue_dma source(%dma_start3A_36 : memref<8192xf32, #tpu.memory_space<hbm>>) target(%arg11 : memref<8192xf32, #tpu.memory_space<vmem>>) target_semaphore(%arg18 : memref<!tpu.dma_semaphore, #tpu.memory_space<semaphore_mem>>)
    %dma_wait3A = tpu.memref_slice %arg3[%add3A_4] : memref<1048576xi32, #tpu.memory_space<hbm>> -> memref<8192xi32, #tpu.memory_space<hbm>>
    %dma_wait3A_37 = tpu.memref_slice %arg3[%add3A_4] : memref<1048576xi32, #tpu.memory_space<hbm>> -> memref<8192xi32, #tpu.memory_space<hbm>>
    tpu.wait_dma2 semaphore(%arg17 : memref<!tpu.dma_semaphore, #tpu.memory_space<semaphore_mem>>) src(%dma_wait3A_37 : memref<8192xi32, #tpu.memory_space<hbm>>) dst(%arg8 : memref<8192xi32, #tpu.memory_space<vmem>>)
    %dma_wait3A_38 = tpu.memref_slice %arg4[%add3A_4] : memref<1048576xf32, #tpu.memory_space<hbm>> -> memref<8192xf32, #tpu.memory_space<hbm>>
    %dma_wait3A_39 = tpu.memref_slice %arg4[%add3A_4] : memref<1048576xf32, #tpu.memory_space<hbm>> -> memref<8192xf32, #tpu.memory_space<hbm>>
    tpu.wait_dma2 semaphore(%arg17 : memref<!tpu.dma_semaphore, #tpu.memory_space<semaphore_mem>>) src(%dma_wait3A_39 : memref<8192xf32, #tpu.memory_space<hbm>>) dst(%arg10 : memref<8192xf32, #tpu.memory_space<vmem>>)
    %parallel_loop3A = arith.constant 0 : i32
    %parallel_loop3A_40 = arith.constant 8192 : i32
    %parallel_loop3A_41 = arith.constant 16 : i32
    scf.for %parallel_loop3A_115 = %parallel_loop3A to %parallel_loop3A_40 step %parallel_loop3A_41  : i32 {
      %parallel_loop3A_116 = arith.index_cast %parallel_loop3A_115 : i32 to index
      %parallel_loop3A_117 = tpu.vector_load %arg8[%parallel_loop3A_116] {strides = array<i32>} : memref<8192xi32, #tpu.memory_space<vmem>>, vector<16xi32>,
      %parallel_loop3A_118 = arith.sitofp %parallel_loop3A_117 : vector<16xi32> to vector<16xf32>
      %parallel_loop3A_119 = arith.index_cast %parallel_loop3A_115 : i32 to index
      %parallel_loop3A_120 = tpu.vector_load %arg10[%parallel_loop3A_119] {strides = array<i32>} : memref<8192xf32, #tpu.memory_space<vmem>>, vector<16xf32>,
      %parallel_loop3A_121 = arith.addf %parallel_loop3A_118, %parallel_loop3A_120 : vector<16xf32>
      %parallel_loop3A_122 = arith.constant 1.22070313E-4 : f32
      %parallel_loop3A_123 = vector.broadcast %parallel_loop3A_122 : f32 to vector<16xf32>
      %parallel_loop3A_124 = arith.mulf %parallel_loop3A_121, %parallel_loop3A_123 : vector<16xf32>
      %parallel_loop3A_125 = arith.index_cast %parallel_loop3A_115 : i32 to index
      %parallel_loop3A_126 = tpu.vector_load %arg12[%parallel_loop3A_125] {strides = array<i32>} : memref<8192xf32, #tpu.memory_space<vmem>>, vector<16xf32>,
      tpu.vector_store %arg12[%parallel_loop3A_125], %parallel_loop3A_124 {strides = array<i32>} : memref<8192xf32, #tpu.memory_space<vmem>>, vector<16xf32>,
      %parallel_loop3A_127 = arith.fptosi %parallel_loop3A_121 : vector<16xf32> to vector<16xi32>
      %parallel_loop3A_128 = arith.constant 8191 : i32
      %parallel_loop3A_129 = vector.broadcast %parallel_loop3A_128 : i32 to vector<16xi32>
      %parallel_loop3A_130 = arith.minsi %parallel_loop3A_127, %parallel_loop3A_129 : vector<16xi32>
      %parallel_loop3A_131 = tpu.vector_load_idx %arg7[%parallel_loop3A_130] : memref<8192xf32, #tpu.memory_space<vmem>>[vector<16xi32>], vector<16xf32>,
      %parallel_loop3A_132 = arith.mulf %parallel_loop3A_131, %div3A : vector<16xf32>
      %parallel_loop3A_133 = arith.index_cast %parallel_loop3A_115 : i32 to index
      %parallel_loop3A_134 = tpu.vector_load %arg14[%parallel_loop3A_133] {strides = array<i32>} : memref<8192xf32, #tpu.memory_space<vmem>>, vector<16xf32>,
      tpu.vector_store %arg14[%parallel_loop3A_133], %parallel_loop3A_132 {strides = array<i32>} : memref<8192xf32, #tpu.memory_space<vmem>>, vector<16xf32>,
    } {sc.loop_unroll_factor = 8 : i64, sc.parallel_access}
    %add3A_42 = arith.constant 0 : i32
    %add3A_43 = arith.addi %mul3A_2, %add3A_42 : i32
    %dma_start3A_44 = tpu.memref_slice %arg5[%add3A_43] : memref<1048576xf32, #tpu.memory_space<hbm>> -> memref<8192xf32, #tpu.memory_space<hbm>>
    %dma_start3A_45 = tpu.memref_slice %arg5[%add3A_43] : memref<1048576xf32, #tpu.memory_space<hbm>> -> memref<8192xf32, #tpu.memory_space<hbm>>
    tpu.enqueue_dma source(%arg12 : memref<8192xf32, #tpu.memory_space<vmem>>) target(%dma_start3A_45 : memref<8192xf32, #tpu.memory_space<hbm>>) target_semaphore(%arg19 : memref<!tpu.dma_semaphore, #tpu.memory_space<semaphore_mem>>)
    %dma_start3A_46 = tpu.memref_slice %arg6[%add3A_43] : memref<1048576xf32, #tpu.memory_space<hbm>> -> memref<8192xf32, #tpu.memory_space<hbm>>
    %dma_start3A_47 = tpu.memref_slice %arg6[%add3A_43] : memref<1048576xf32, #tpu.memory_space<hbm>> -> memref<8192xf32, #tpu.memory_space<hbm>>
    tpu.enqueue_dma source(%arg14 : memref<8192xf32, #tpu.memory_space<vmem>>) target(%dma_start3A_47 : memref<8192xf32, #tpu.memory_space<hbm>>) target_semaphore(%arg19 : memref<!tpu.dma_semaphore, #tpu.memory_space<semaphore_mem>>)
    %add3A_48 = arith.constant 16384 : i32
    %add3A_49 = arith.addi %mul3A_2, %add3A_48 : i32
    %dma_start3A_50 = tpu.memref_slice %arg3[%add3A_49] : memref<1048576xi32, #tpu.memory_space<hbm>> -> memref<8192xi32, #tpu.memory_space<hbm>>
    %dma_start3A_51 = tpu.memref_slice %arg3[%add3A_49] : memref<1048576xi32, #tpu.memory_space<hbm>> -> memref<8192xi32, #tpu.memory_space<hbm>>
    tpu.enqueue_dma source(%dma_start3A_51 : memref<8192xi32, #tpu.memory_space<hbm>>) target(%arg8 : memref<8192xi32, #tpu.memory_space<vmem>>) target_semaphore(%arg17 : memref<!tpu.dma_semaphore, #tpu.memory_space<semaphore_mem>>)
    %dma_start3A_52 = tpu.memref_slice %arg4[%add3A_49] : memref<1048576xf32, #tpu.memory_space<hbm>> -> memref<8192xf32, #tpu.memory_space<hbm>>
    %dma_start3A_53 = tpu.memref_slice %arg4[%add3A_49] : memref<1048576xf32, #tpu.memory_space<hbm>> -> memref<8192xf32, #tpu.memory_space<hbm>>
    tpu.enqueue_dma source(%dma_start3A_53 : memref<8192xf32, #tpu.memory_space<hbm>>) target(%arg10 : memref<8192xf32, #tpu.memory_space<vmem>>) target_semaphore(%arg17 : memref<!tpu.dma_semaphore, #tpu.memory_space<semaphore_mem>>)
    %dma_wait3A_54 = tpu.memref_slice %arg3[%add3A_32] : memref<1048576xi32, #tpu.memory_space<hbm>> -> memref<8192xi32, #tpu.memory_space<hbm>>
    %dma_wait3A_55 = tpu.memref_slice %arg3[%add3A_32] : memref<1048576xi32, #tpu.memory_space<hbm>> -> memref<8192xi32, #tpu.memory_space<hbm>>
    tpu.wait_dma2 semaphore(%arg18 : memref<!tpu.dma_semaphore, #tpu.memory_space<semaphore_mem>>) src(%dma_wait3A_55 : memref<8192xi32, #tpu.memory_space<hbm>>) dst(%arg9 : memref<8192xi32, #tpu.memory_space<vmem>>)
    %dma_wait3A_56 = tpu.memref_slice %arg4[%add3A_32] : memref<1048576xf32, #tpu.memory_space<hbm>> -> memref<8192xf32, #tpu.memory_space<hbm>>
    %dma_wait3A_57 = tpu.memref_slice %arg4[%add3A_32] : memref<1048576xf32, #tpu.memory_space<hbm>> -> memref<8192xf32, #tpu.memory_space<hbm>>
    tpu.wait_dma2 semaphore(%arg18 : memref<!tpu.dma_semaphore, #tpu.memory_space<semaphore_mem>>) src(%dma_wait3A_57 : memref<8192xf32, #tpu.memory_space<hbm>>) dst(%arg11 : memref<8192xf32, #tpu.memory_space<vmem>>)
    %parallel_loop3A_58 = arith.constant 0 : i32
    %parallel_loop3A_59 = arith.constant 8192 : i32
    %parallel_loop3A_60 = arith.constant 16 : i32
    scf.for %parallel_loop3A_115 = %parallel_loop3A_58 to %parallel_loop3A_59 step %parallel_loop3A_60  : i32 {
      %parallel_loop3A_116 = arith.index_cast %parallel_loop3A_115 : i32 to index
      %parallel_loop3A_117 = tpu.vector_load %arg9[%parallel_loop3A_116] {strides = array<i32>} : memref<8192xi32, #tpu.memory_space<vmem>>, vector<16xi32>,
      %parallel_loop3A_118 = arith.sitofp %parallel_loop3A_117 : vector<16xi32> to vector<16xf32>
      %parallel_loop3A_119 = arith.index_cast %parallel_loop3A_115 : i32 to index
      %parallel_loop3A_120 = tpu.vector_load %arg11[%parallel_loop3A_119] {strides = array<i32>} : memref<8192xf32, #tpu.memory_space<vmem>>, vector<16xf32>,
      %parallel_loop3A_121 = arith.addf %parallel_loop3A_118, %parallel_loop3A_120 : vector<16xf32>
      %parallel_loop3A_122 = arith.constant 1.22070313E-4 : f32
      %parallel_loop3A_123 = vector.broadcast %parallel_loop3A_122 : f32 to vector<16xf32>
      %parallel_loop3A_124 = arith.mulf %parallel_loop3A_121, %parallel_loop3A_123 : vector<16xf32>
      %parallel_loop3A_125 = arith.index_cast %parallel_loop3A_115 : i32 to index
      %parallel_loop3A_126 = tpu.vector_load %arg13[%parallel_loop3A_125] {strides = array<i32>} : memref<8192xf32, #tpu.memory_space<vmem>>, vector<16xf32>,
      tpu.vector_store %arg13[%parallel_loop3A_125], %parallel_loop3A_124 {strides = array<i32>} : memref<8192xf32, #tpu.memory_space<vmem>>, vector<16xf32>,
      %parallel_loop3A_127 = arith.fptosi %parallel_loop3A_121 : vector<16xf32> to vector<16xi32>
      %parallel_loop3A_128 = arith.constant 8191 : i32
      %parallel_loop3A_129 = vector.broadcast %parallel_loop3A_128 : i32 to vector<16xi32>
      %parallel_loop3A_130 = arith.minsi %parallel_loop3A_127, %parallel_loop3A_129 : vector<16xi32>
      %parallel_loop3A_131 = tpu.vector_load_idx %arg7[%parallel_loop3A_130] : memref<8192xf32, #tpu.memory_space<vmem>>[vector<16xi32>], vector<16xf32>,
      %parallel_loop3A_132 = arith.mulf %parallel_loop3A_131, %div3A : vector<16xf32>
      %parallel_loop3A_133 = arith.index_cast %parallel_loop3A_115 : i32 to index
      %parallel_loop3A_134 = tpu.vector_load %arg15[%parallel_loop3A_133] {strides = array<i32>} : memref<8192xf32, #tpu.memory_space<vmem>>, vector<16xf32>,
      tpu.vector_store %arg15[%parallel_loop3A_133], %parallel_loop3A_132 {strides = array<i32>} : memref<8192xf32, #tpu.memory_space<vmem>>, vector<16xf32>,
    } {sc.loop_unroll_factor = 8 : i64, sc.parallel_access}
    %add3A_61 = arith.constant 8192 : i32
    %add3A_62 = arith.addi %mul3A_2, %add3A_61 : i32
    %dma_start3A_63 = tpu.memref_slice %arg5[%add3A_62] : memref<1048576xf32, #tpu.memory_space<hbm>> -> memref<8192xf32, #tpu.memory_space<hbm>>
    %dma_start3A_64 = tpu.memref_slice %arg5[%add3A_62] : memref<1048576xf32, #tpu.memory_space<hbm>> -> memref<8192xf32, #tpu.memory_space<hbm>>
    tpu.enqueue_dma source(%arg13 : memref<8192xf32, #tpu.memory_space<vmem>>) target(%dma_start3A_64 : memref<8192xf32, #tpu.memory_space<hbm>>) target_semaphore(%arg20 : memref<!tpu.dma_semaphore, #tpu.memory_space<semaphore_mem>>)
    %dma_start3A_65 = tpu.memref_slice %arg6[%add3A_62] : memref<1048576xf32, #tpu.memory_space<hbm>> -> memref<8192xf32, #tpu.memory_space<hbm>>
    %dma_start3A_66 = tpu.memref_slice %arg6[%add3A_62] : memref<1048576xf32, #tpu.memory_space<hbm>> -> memref<8192xf32, #tpu.memory_space<hbm>>
    tpu.enqueue_dma source(%arg15 : memref<8192xf32, #tpu.memory_space<vmem>>) target(%dma_start3A_66 : memref<8192xf32, #tpu.memory_space<hbm>>) target_semaphore(%arg20 : memref<!tpu.dma_semaphore, #tpu.memory_space<semaphore_mem>>)
    %add3A_67 = arith.constant 24576 : i32
    %add3A_68 = arith.addi %mul3A_2, %add3A_67 : i32
    %dma_start3A_69 = tpu.memref_slice %arg3[%add3A_68] : memref<1048576xi32, #tpu.memory_space<hbm>> -> memref<8192xi32, #tpu.memory_space<hbm>>
    %dma_start3A_70 = tpu.memref_slice %arg3[%add3A_68] : memref<1048576xi32, #tpu.memory_space<hbm>> -> memref<8192xi32, #tpu.memory_space<hbm>>
    tpu.enqueue_dma source(%dma_start3A_70 : memref<8192xi32, #tpu.memory_space<hbm>>) target(%arg9 : memref<8192xi32, #tpu.memory_space<vmem>>) target_semaphore(%arg18 : memref<!tpu.dma_semaphore, #tpu.memory_space<semaphore_mem>>)
    %dma_start3A_71 = tpu.memref_slice %arg4[%add3A_68] : memref<1048576xf32, #tpu.memory_space<hbm>> -> memref<8192xf32, #tpu.memory_space<hbm>>
    %dma_start3A_72 = tpu.memref_slice %arg4[%add3A_68] : memref<1048576xf32, #tpu.memory_space<hbm>> -> memref<8192xf32, #tpu.memory_space<hbm>>
    tpu.enqueue_dma source(%dma_start3A_72 : memref<8192xf32, #tpu.memory_space<hbm>>) target(%arg11 : memref<8192xf32, #tpu.memory_space<vmem>>) target_semaphore(%arg18 : memref<!tpu.dma_semaphore, #tpu.memory_space<semaphore_mem>>)
    %dma_wait3A_73 = tpu.memref_slice %arg3[%add3A_49] : memref<1048576xi32, #tpu.memory_space<hbm>> -> memref<8192xi32, #tpu.memory_space<hbm>>
    %dma_wait3A_74 = tpu.memref_slice %arg3[%add3A_49] : memref<1048576xi32, #tpu.memory_space<hbm>> -> memref<8192xi32, #tpu.memory_space<hbm>>
    tpu.wait_dma2 semaphore(%arg17 : memref<!tpu.dma_semaphore, #tpu.memory_space<semaphore_mem>>) src(%dma_wait3A_74 : memref<8192xi32, #tpu.memory_space<hbm>>) dst(%arg8 : memref<8192xi32, #tpu.memory_space<vmem>>)
    %dma_wait3A_75 = tpu.memref_slice %arg4[%add3A_49] : memref<1048576xf32, #tpu.memory_space<hbm>> -> memref<8192xf32, #tpu.memory_space<hbm>>
    %dma_wait3A_76 = tpu.memref_slice %arg4[%add3A_49] : memref<1048576xf32, #tpu.memory_space<hbm>> -> memref<8192xf32, #tpu.memory_space<hbm>>
    tpu.wait_dma2 semaphore(%arg17 : memref<!tpu.dma_semaphore, #tpu.memory_space<semaphore_mem>>) src(%dma_wait3A_76 : memref<8192xf32, #tpu.memory_space<hbm>>) dst(%arg10 : memref<8192xf32, #tpu.memory_space<vmem>>)
    %dma_wait3A_77 = tpu.memref_slice %arg5[%add3A_43] : memref<1048576xf32, #tpu.memory_space<hbm>> -> memref<8192xf32, #tpu.memory_space<hbm>>
    %dma_wait3A_78 = tpu.memref_slice %arg5[%add3A_43] : memref<1048576xf32, #tpu.memory_space<hbm>> -> memref<8192xf32, #tpu.memory_space<hbm>>
    tpu.wait_dma2 semaphore(%arg19 : memref<!tpu.dma_semaphore, #tpu.memory_space<semaphore_mem>>) src(%arg12 : memref<8192xf32, #tpu.memory_space<vmem>>) dst(%dma_wait3A_78 : memref<8192xf32, #tpu.memory_space<hbm>>)
    %dma_wait3A_79 = tpu.memref_slice %arg6[%add3A_43] : memref<1048576xf32, #tpu.memory_space<hbm>> -> memref<8192xf32, #tpu.memory_space<hbm>>
    %dma_wait3A_80 = tpu.memref_slice %arg6[%add3A_43] : memref<1048576xf32, #tpu.memory_space<hbm>> -> memref<8192xf32, #tpu.memory_space<hbm>>
    tpu.wait_dma2 semaphore(%arg19 : memref<!tpu.dma_semaphore, #tpu.memory_space<semaphore_mem>>) src(%arg14 : memref<8192xf32, #tpu.memory_space<vmem>>) dst(%dma_wait3A_80 : memref<8192xf32, #tpu.memory_space<hbm>>)
    %parallel_loop3A_81 = arith.constant 0 : i32
    %parallel_loop3A_82 = arith.constant 8192 : i32
    %parallel_loop3A_83 = arith.constant 16 : i32
    scf.for %parallel_loop3A_115 = %parallel_loop3A_81 to %parallel_loop3A_82 step %parallel_loop3A_83  : i32 {
      %parallel_loop3A_116 = arith.index_cast %parallel_loop3A_115 : i32 to index
      %parallel_loop3A_117 = tpu.vector_load %arg8[%parallel_loop3A_116] {strides = array<i32>} : memref<8192xi32, #tpu.memory_space<vmem>>, vector<16xi32>,
      %parallel_loop3A_118 = arith.sitofp %parallel_loop3A_117 : vector<16xi32> to vector<16xf32>
      %parallel_loop3A_119 = arith.index_cast %parallel_loop3A_115 : i32 to index
      %parallel_loop3A_120 = tpu.vector_load %arg10[%parallel_loop3A_119] {strides = array<i32>} : memref<8192xf32, #tpu.memory_space<vmem>>, vector<16xf32>,
      %parallel_loop3A_121 = arith.addf %parallel_loop3A_118, %parallel_loop3A_120 : vector<16xf32>
      %parallel_loop3A_122 = arith.constant 1.22070313E-4 : f32
      %parallel_loop3A_123 = vector.broadcast %parallel_loop3A_122 : f32 to vector<16xf32>
      %parallel_loop3A_124 = arith.mulf %parallel_loop3A_121, %parallel_loop3A_123 : vector<16xf32>
      %parallel_loop3A_125 = arith.index_cast %parallel_loop3A_115 : i32 to index
      %parallel_loop3A_126 = tpu.vector_load %arg12[%parallel_loop3A_125] {strides = array<i32>} : memref<8192xf32, #tpu.memory_space<vmem>>, vector<16xf32>,
      tpu.vector_store %arg12[%parallel_loop3A_125], %parallel_loop3A_124 {strides = array<i32>} : memref<8192xf32, #tpu.memory_space<vmem>>, vector<16xf32>,
      %parallel_loop3A_127 = arith.fptosi %parallel_loop3A_121 : vector<16xf32> to vector<16xi32>
      %parallel_loop3A_128 = arith.constant 8191 : i32
      %parallel_loop3A_129 = vector.broadcast %parallel_loop3A_128 : i32 to vector<16xi32>
      %parallel_loop3A_130 = arith.minsi %parallel_loop3A_127, %parallel_loop3A_129 : vector<16xi32>
      %parallel_loop3A_131 = tpu.vector_load_idx %arg7[%parallel_loop3A_130] : memref<8192xf32, #tpu.memory_space<vmem>>[vector<16xi32>], vector<16xf32>,
      %parallel_loop3A_132 = arith.mulf %parallel_loop3A_131, %div3A : vector<16xf32>
      %parallel_loop3A_133 = arith.index_cast %parallel_loop3A_115 : i32 to index
      %parallel_loop3A_134 = tpu.vector_load %arg14[%parallel_loop3A_133] {strides = array<i32>} : memref<8192xf32, #tpu.memory_space<vmem>>, vector<16xf32>,
      tpu.vector_store %arg14[%parallel_loop3A_133], %parallel_loop3A_132 {strides = array<i32>} : memref<8192xf32, #tpu.memory_space<vmem>>, vector<16xf32>,
    } {sc.loop_unroll_factor = 8 : i64, sc.parallel_access}
    %add3A_84 = arith.constant 16384 : i32
    %add3A_85 = arith.addi %mul3A_2, %add3A_84 : i32
    %dma_start3A_86 = tpu.memref_slice %arg5[%add3A_85] : memref<1048576xf32, #tpu.memory_space<hbm>> -> memref<8192xf32, #tpu.memory_space<hbm>>
    %dma_start3A_87 = tpu.memref_slice %arg5[%add3A_85] : memref<1048576xf32, #tpu.memory_space<hbm>> -> memref<8192xf32, #tpu.memory_space<hbm>>
    tpu.enqueue_dma source(%arg12 : memref<8192xf32, #tpu.memory_space<vmem>>) target(%dma_start3A_87 : memref<8192xf32, #tpu.memory_space<hbm>>) target_semaphore(%arg19 : memref<!tpu.dma_semaphore, #tpu.memory_space<semaphore_mem>>)
    %dma_start3A_88 = tpu.memref_slice %arg6[%add3A_85] : memref<1048576xf32, #tpu.memory_space<hbm>> -> memref<8192xf32, #tpu.memory_space<hbm>>
    %dma_start3A_89 = tpu.memref_slice %arg6[%add3A_85] : memref<1048576xf32, #tpu.memory_space<hbm>> -> memref<8192xf32, #tpu.memory_space<hbm>>
    tpu.enqueue_dma source(%arg14 : memref<8192xf32, #tpu.memory_space<vmem>>) target(%dma_start3A_89 : memref<8192xf32, #tpu.memory_space<hbm>>) target_semaphore(%arg19 : memref<!tpu.dma_semaphore, #tpu.memory_space<semaphore_mem>>)
    %dma_wait3A_90 = tpu.memref_slice %arg3[%add3A_68] : memref<1048576xi32, #tpu.memory_space<hbm>> -> memref<8192xi32, #tpu.memory_space<hbm>>
    %dma_wait3A_91 = tpu.memref_slice %arg3[%add3A_68] : memref<1048576xi32, #tpu.memory_space<hbm>> -> memref<8192xi32, #tpu.memory_space<hbm>>
    tpu.wait_dma2 semaphore(%arg18 : memref<!tpu.dma_semaphore, #tpu.memory_space<semaphore_mem>>) src(%dma_wait3A_91 : memref<8192xi32, #tpu.memory_space<hbm>>) dst(%arg9 : memref<8192xi32, #tpu.memory_space<vmem>>)
    %dma_wait3A_92 = tpu.memref_slice %arg4[%add3A_68] : memref<1048576xf32, #tpu.memory_space<hbm>> -> memref<8192xf32, #tpu.memory_space<hbm>>
    %dma_wait3A_93 = tpu.memref_slice %arg4[%add3A_68] : memref<1048576xf32, #tpu.memory_space<hbm>> -> memref<8192xf32, #tpu.memory_space<hbm>>
    tpu.wait_dma2 semaphore(%arg18 : memref<!tpu.dma_semaphore, #tpu.memory_space<semaphore_mem>>) src(%dma_wait3A_93 : memref<8192xf32, #tpu.memory_space<hbm>>) dst(%arg11 : memref<8192xf32, #tpu.memory_space<vmem>>)
    %dma_wait3A_94 = tpu.memref_slice %arg5[%add3A_62] : memref<1048576xf32, #tpu.memory_space<hbm>> -> memref<8192xf32, #tpu.memory_space<hbm>>
    %dma_wait3A_95 = tpu.memref_slice %arg5[%add3A_62] : memref<1048576xf32, #tpu.memory_space<hbm>> -> memref<8192xf32, #tpu.memory_space<hbm>>
    tpu.wait_dma2 semaphore(%arg20 : memref<!tpu.dma_semaphore, #tpu.memory_space<semaphore_mem>>) src(%arg13 : memref<8192xf32, #tpu.memory_space<vmem>>) dst(%dma_wait3A_95 : memref<8192xf32, #tpu.memory_space<hbm>>)
    %dma_wait3A_96 = tpu.memref_slice %arg6[%add3A_62] : memref<1048576xf32, #tpu.memory_space<hbm>> -> memref<8192xf32, #tpu.memory_space<hbm>>
    %dma_wait3A_97 = tpu.memref_slice %arg6[%add3A_62] : memref<1048576xf32, #tpu.memory_space<hbm>> -> memref<8192xf32, #tpu.memory_space<hbm>>
    tpu.wait_dma2 semaphore(%arg20 : memref<!tpu.dma_semaphore, #tpu.memory_space<semaphore_mem>>) src(%arg15 : memref<8192xf32, #tpu.memory_space<vmem>>) dst(%dma_wait3A_97 : memref<8192xf32, #tpu.memory_space<hbm>>)
    %parallel_loop3A_98 = arith.constant 0 : i32
    %parallel_loop3A_99 = arith.constant 8192 : i32
    %parallel_loop3A_100 = arith.constant 16 : i32
    scf.for %parallel_loop3A_115 = %parallel_loop3A_98 to %parallel_loop3A_99 step %parallel_loop3A_100  : i32 {
      %parallel_loop3A_116 = arith.index_cast %parallel_loop3A_115 : i32 to index
      %parallel_loop3A_117 = tpu.vector_load %arg9[%parallel_loop3A_116] {strides = array<i32>} : memref<8192xi32, #tpu.memory_space<vmem>>, vector<16xi32>,
      %parallel_loop3A_118 = arith.sitofp %parallel_loop3A_117 : vector<16xi32> to vector<16xf32>
      %parallel_loop3A_119 = arith.index_cast %parallel_loop3A_115 : i32 to index
      %parallel_loop3A_120 = tpu.vector_load %arg11[%parallel_loop3A_119] {strides = array<i32>} : memref<8192xf32, #tpu.memory_space<vmem>>, vector<16xf32>,
      %parallel_loop3A_121 = arith.addf %parallel_loop3A_118, %parallel_loop3A_120 : vector<16xf32>
      %parallel_loop3A_122 = arith.constant 1.22070313E-4 : f32
      %parallel_loop3A_123 = vector.broadcast %parallel_loop3A_122 : f32 to vector<16xf32>
      %parallel_loop3A_124 = arith.mulf %parallel_loop3A_121, %parallel_loop3A_123 : vector<16xf32>
      %parallel_loop3A_125 = arith.index_cast %parallel_loop3A_115 : i32 to index
      %parallel_loop3A_126 = tpu.vector_load %arg13[%parallel_loop3A_125] {strides = array<i32>} : memref<8192xf32, #tpu.memory_space<vmem>>, vector<16xf32>,
      tpu.vector_store %arg13[%parallel_loop3A_125], %parallel_loop3A_124 {strides = array<i32>} : memref<8192xf32, #tpu.memory_space<vmem>>, vector<16xf32>,
      %parallel_loop3A_127 = arith.fptosi %parallel_loop3A_121 : vector<16xf32> to vector<16xi32>
      %parallel_loop3A_128 = arith.constant 8191 : i32
      %parallel_loop3A_129 = vector.broadcast %parallel_loop3A_128 : i32 to vector<16xi32>
      %parallel_loop3A_130 = arith.minsi %parallel_loop3A_127, %parallel_loop3A_129 : vector<16xi32>
      %parallel_loop3A_131 = tpu.vector_load_idx %arg7[%parallel_loop3A_130] : memref<8192xf32, #tpu.memory_space<vmem>>[vector<16xi32>], vector<16xf32>,
      %parallel_loop3A_132 = arith.mulf %parallel_loop3A_131, %div3A : vector<16xf32>
      %parallel_loop3A_133 = arith.index_cast %parallel_loop3A_115 : i32 to index
      %parallel_loop3A_134 = tpu.vector_load %arg15[%parallel_loop3A_133] {strides = array<i32>} : memref<8192xf32, #tpu.memory_space<vmem>>, vector<16xf32>,
      tpu.vector_store %arg15[%parallel_loop3A_133], %parallel_loop3A_132 {strides = array<i32>} : memref<8192xf32, #tpu.memory_space<vmem>>, vector<16xf32>,
    } {sc.loop_unroll_factor = 8 : i64, sc.parallel_access}
    %add3A_101 = arith.constant 24576 : i32
    %add3A_102 = arith.addi %mul3A_2, %add3A_101 : i32
    %dma_start3A_103 = tpu.memref_slice %arg5[%add3A_102] : memref<1048576xf32, #tpu.memory_space<hbm>> -> memref<8192xf32, #tpu.memory_space<hbm>>
    %dma_start3A_104 = tpu.memref_slice %arg5[%add3A_102] : memref<1048576xf32, #tpu.memory_space<hbm>> -> memref<8192xf32, #tpu.memory_space<hbm>>
    tpu.enqueue_dma source(%arg13 : memref<8192xf32, #tpu.memory_space<vmem>>) target(%dma_start3A_104 : memref<8192xf32, #tpu.memory_space<hbm>>) target_semaphore(%arg20 : memref<!tpu.dma_semaphore, #tpu.memory_space<semaphore_mem>>)
    %dma_start3A_105 = tpu.memref_slice %arg6[%add3A_102] : memref<1048576xf32, #tpu.memory_space<hbm>> -> memref<8192xf32, #tpu.memory_space<hbm>>
    %dma_start3A_106 = tpu.memref_slice %arg6[%add3A_102] : memref<1048576xf32, #tpu.memory_space<hbm>> -> memref<8192xf32, #tpu.memory_space<hbm>>
    tpu.enqueue_dma source(%arg15 : memref<8192xf32, #tpu.memory_space<vmem>>) target(%dma_start3A_106 : memref<8192xf32, #tpu.memory_space<hbm>>) target_semaphore(%arg20 : memref<!tpu.dma_semaphore, #tpu.memory_space<semaphore_mem>>)
    %dma_wait3A_107 = tpu.memref_slice %arg5[%add3A_85] : memref<1048576xf32, #tpu.memory_space<hbm>> -> memref<8192xf32, #tpu.memory_space<hbm>>
    %dma_wait3A_108 = tpu.memref_slice %arg5[%add3A_85] : memref<1048576xf32, #tpu.memory_space<hbm>> -> memref<8192xf32, #tpu.memory_space<hbm>>
    tpu.wait_dma2 semaphore(%arg19 : memref<!tpu.dma_semaphore, #tpu.memory_space<semaphore_mem>>) src(%arg12 : memref<8192xf32, #tpu.memory_space<vmem>>) dst(%dma_wait3A_108 : memref<8192xf32, #tpu.memory_space<hbm>>)
    %dma_wait3A_109 = tpu.memref_slice %arg6[%add3A_85] : memref<1048576xf32, #tpu.memory_space<hbm>> -> memref<8192xf32, #tpu.memory_space<hbm>>
    %dma_wait3A_110 = tpu.memref_slice %arg6[%add3A_85] : memref<1048576xf32, #tpu.memory_space<hbm>> -> memref<8192xf32, #tpu.memory_space<hbm>>
    tpu.wait_dma2 semaphore(%arg19 : memref<!tpu.dma_semaphore, #tpu.memory_space<semaphore_mem>>) src(%arg14 : memref<8192xf32, #tpu.memory_space<vmem>>) dst(%dma_wait3A_110 : memref<8192xf32, #tpu.memory_space<hbm>>)
    %dma_wait3A_111 = tpu.memref_slice %arg5[%add3A_102] : memref<1048576xf32, #tpu.memory_space<hbm>> -> memref<8192xf32, #tpu.memory_space<hbm>>
    %dma_wait3A_112 = tpu.memref_slice %arg5[%add3A_102] : memref<1048576xf32, #tpu.memory_space<hbm>> -> memref<8192xf32, #tpu.memory_space<hbm>>
    tpu.wait_dma2 semaphore(%arg20 : memref<!tpu.dma_semaphore, #tpu.memory_space<semaphore_mem>>) src(%arg13 : memref<8192xf32, #tpu.memory_space<vmem>>) dst(%dma_wait3A_112 : memref<8192xf32, #tpu.memory_space<hbm>>)
    %dma_wait3A_113 = tpu.memref_slice %arg6[%add3A_102] : memref<1048576xf32, #tpu.memory_space<hbm>> -> memref<8192xf32, #tpu.memory_space<hbm>>
    %dma_wait3A_114 = tpu.memref_slice %arg6[%add3A_102] : memref<1048576xf32, #tpu.memory_space<hbm>> -> memref<8192xf32, #tpu.memory_space<hbm>>
    tpu.wait_dma2 semaphore(%arg20 : memref<!tpu.dma_semaphore, #tpu.memory_space<semaphore_mem>>) src(%arg15 : memref<8192xf32, #tpu.memory_space<vmem>>) dst(%dma_wait3A_114 : memref<8192xf32, #tpu.memory_space<hbm>>)
    return
  }
}

</mosaic_0001>

<sc_bundles>
// kernel: kernel.3.cloned.1.call-start
scs
__scs_entry_jumppad:
0x0: {  	(pc) =	sbr.rel $0x88, $3  }
0x1: {  	(tag) =	ssettag $0x0;
	lr =	simm.s32 $0x1  }
0x2: {  	[smem:$0x3F9E] =	sst lr;
	_ =	strace $0xD0000000  }
0x3: {  	_ = 	snop  }
0x4: {  	_ = 	snop  }
0x5: {  	_ = 	snop  }
0x6: {  	_ = 	snop  }
0x7: {  	_ = 	snop  }
__scs_overlays_trampoline_lowered:
0x8: {  	[smem:$0x3FAD] =	sst s0  }
0x9: {  	[smem:$0x3FAE] =	sst s1  }
0xa: {  	[smem:$0x3FAF] =	sst s2  }
0xb: {  	[smem:$0x3FB0] =	sst s3  }
0xc: {  	[smem:$0x3FB1] =	sst s4  }
0xd: {  	[smem:$0x3FB2] =	sst s5  }
0xe: {  	[smem:$0x3FB3] =	sst s6  }
0xf: {  	[smem:$0x3FB4] =	sst s7  }
0x10: {  	[smem:$0x3FB5] =	sst s8  }
0x11: {  	[smem:$0x3FB6] =	sst s9;
	s0 =	simm.s32 @!p0 $0x0  }
0x12: {  	s1 =	sld [smem:$0x3F9C];
	s0 =	simm.s32 @p0 $0x1  }
0x13: {  	[smem:$0x3FB7] =	sst s0;
	s0 =	simm.s32 @!p1 $0x0  }
0x14: {  	s2 =	sld [smem:$0x3F9B];
	s0 =	simm.s32 @p1 $0x1  }
0x15: {  	[smem:$0x3FB8] =	sst s0;
	s0 =	simm.s32 @!p2 $0x0  }
0x16: {  	s3 =	sld [smem:$0x3FDB];
	s0 =	simm.s32 @p2 $0x1  }
0x17: {  	s4 =	simm.s32 $0x1BF5;
	[smem:$0x3FBA] =	sst s0  }
0x18: {  	s0 =	sld [smem:$0x3F9D];
	_ =	swait.ge [sflag:s4], $0x0  }
0x19: {  	s7 =	sld [smem:$0x3F9E]  }
0x1a: {  	s8 =	sadd.s32 $0xFFFFE003, lr  }
0x1b: {  	s9 =	sadd.s32 $0xFFFFFEF7, lr;
	s5 =	simm.s32 $0xFFFFFFFF;
	p2 =	slt.u32 s8, $0xFFFFF086  }
0x1c: {  	p1 =	slt.u32 s9, $0xF7A;
	s5 =	simm.s32 @!p2 $0x0  }
0x1d: {  	s5 =	simm.s32 @p1 $0x1;
	p0 =	seq.s32 s7, s2  }
0x1e: {  	s7 =	smul.u32 @!p0 $0xF7A, s2;
	p2 =	seq.s32 @!p0 s5, $0x0  }
0x1f: {  	s9 =	smul.u32 $0xF7A, s1;
	s8 =	simm.s32 @!p0 $0x1BF5;
	p2 =	por !p2, p0  }
0x20: {  	[sflag:s8] =	ssyncset.s32 @!p0 $0xFFFFF086;
	s6 =	sadd.s32 @!p0 s3, s7;
	s7 =	simm.s32 @!p0 $0x108  }
0x21: {  	s3 =	sadd.s32 s3, s9;
	s6 =	sadd.s32 @!p0 $0x88, s6;
	s7 =	simm.s32 @p2 $0x1082  }
0x22: {  	[simem:s7], [sflag:s8] =	dma.local @!p0 [hbm:s6], $0xF7A  }
0x23: {  	s9 =	sor.u32 $0xD0000000, s2;
	s6 =	simm.s32 $0x108;
	_ =	swait.ge @!p0 [sflag:s8], $0x0  }
0x24: {  	s3 =	sadd.s32 $0x88, s3;
	s6 =	simm.s32 @!p1 $0x1082;
	[sflag:s4] =	ssyncset.s32 $0xFFFFF086  }
0x25: {  	[simem:s6], [sflag:s4] =	dma.local [hbm:s3], $0xF7A  }
0x26: {  	[smem:$0x3F9E] =	sst s1;
	(tag) =	ssettag s2;
	_ =	strace s9  }
0x27: {  	s1 =	sld [smem:$0x3FAE]  }
0x28: {  	s2 =	sld [smem:$0x3FAF]  }
0x29: {  	s4 =	sld [smem:$0x3FB1]  }
0x2a: {  	p0 =	seq.s32 s5, $0x0;
	s5 =	sld [smem:$0x3FB2]  }
0x2b: {  	s6 =	sld [smem:$0x3FB3]  }
0x2c: {  	s7 =	sld [smem:$0x3FB4]  }
0x2d: {  	s3 =	simm.s32 $0x108;
	s8 =	sld [smem:$0x3FB5]  }
0x2e: {  	s3 =	simm.s32 @!p0 $0x1082;
	s9 =	sld [smem:$0x3FB6]  }
0x2f: {  	lr =	sadd.s32 s0, s3;
	s0 =	sld [smem:$0x3FAD]  }
0x30: {  	s3 =	sld [smem:$0x3FB0]  }
0x31: {  	[smem:$0x3FB9] =	sst s10  }
0x32: {  	s10 =	sld [smem:$0x3FB7];
	_ =	sdelay $0x3  }
0x33: {  	p0 =	seq.s32 s10, $0x1;
	s10 =	sld [smem:$0x3FB9];
	_ =	sdelay $0x3  }
0x34: {  	[smem:$0x3FB9] =	sst s10  }
0x35: {  	s10 =	sld [smem:$0x3FB8];
	_ =	sdelay $0x3  }
0x36: {  	p1 =	seq.s32 s10, $0x1;
	s10 =	sld [smem:$0x3FB9];
	_ =	sdelay $0x3  }
0x37: {  	[smem:$0x3FB9] =	sst s10  }
0x38: {  	s10 =	sld [smem:$0x3FBA]  }
0x39: {  	_ = 	snop;
	(pc) =	sbr.ind lr, $3  }
0x3a: {  	_ = 	snop  }
0x3b: {  	_ = 	snop  }
0x3c: {  	p2 =	seq.s32 s10, $0x1;
	s10 =	sld [smem:$0x3FB9]  }
0x3d: {  	_ =	shalt  }
0x3e: {  	_ =	shalt  }
0x3f: {  	_ =	shalt  }
0x40: {  	_ =	shalt  }
0x41: {  	_ =	shalt  }
0x42: {  	_ =	shalt  }
0x43: {  	_ =	shalt  }
0x44: {  	_ =	shalt  }
0x45: {  	_ =	shalt  }
0x46: {  	_ =	shalt  }
0x47: {  	_ =	shalt  }
0x48: {  	_ =	shalt  }
0x49: {  	_ =	shalt  }
0x4a: {  	_ =	shalt  }
0x4b: {  	_ =	shalt  }
0x4c: {  	_ =	shalt  }
0x4d: {  	_ =	shalt  }
0x4e: {  	_ =	shalt  }
0x4f: {  	_ =	shalt  }
0x50: {  	_ =	shalt  }
0x51: {  	_ =	shalt  }
0x52: {  	_ =	shalt  }
0x53: {  	_ =	shalt  }
0x54: {  	_ =	shalt  }
0x55: {  	_ =	shalt  }
0x56: {  	_ =	shalt  }
0x57: {  	_ =	shalt  }
0x58: {  	_ =	shalt  }
0x59: {  	_ =	shalt  }
0x5a: {  	_ =	shalt  }
0x5b: {  	_ =	shalt  }
0x5c: {  	_ =	shalt  }
0x5d: {  	_ =	shalt  }
0x5e: {  	_ =	shalt  }
0x5f: {  	_ =	shalt  }
0x60: {  	_ =	shalt  }
0x61: {  	_ =	shalt  }
0x62: {  	_ =	shalt  }
0x63: {  	_ =	shalt  }
0x64: {  	_ =	shalt  }
0x65: {  	_ =	shalt  }
0x66: {  	_ =	shalt  }
0x67: {  	_ =	shalt  }
0x68: {  	_ =	shalt  }
0x69: {  	_ =	shalt  }
0x6a: {  	_ =	shalt  }
0x6b: {  	_ =	shalt  }
0x6c: {  	_ =	shalt  }
0x6d: {  	_ =	shalt  }
0x6e: {  	_ =	shalt  }
0x6f: {  	_ =	shalt  }
0x70: {  	_ =	shalt  }
0x71: {  	_ =	shalt  }
0x72: {  	_ =	shalt  }
0x73: {  	_ =	shalt  }
0x74: {  	_ =	shalt  }
0x75: {  	_ =	shalt  }
0x76: {  	_ =	shalt  }
0x77: {  	_ =	shalt  }
0x78: {  	_ =	shalt  }
0x79: {  	_ =	shalt  }
0x7a: {  	_ =	shalt  }
0x7b: {  	_ =	shalt  }
0x7c: {  	_ =	shalt  }
0x7d: {  	_ =	shalt  }
0x7e: {  	_ =	shalt  }
0x7f: {  	_ =	shalt  }
0x80: {  	_ =	shalt  }
0x81: {  	_ =	shalt  }
0x82: {  	_ =	shalt  }
0x83: {  	_ =	shalt  }
0x84: {  	_ =	shalt  }
0x85: {  	_ =	shalt  }
0x86: {  	_ =	shalt  }
0x87: {  	_ =	shalt  }
.Lfunc_end0:
.L_simem_size_0:
called_computation_lowered:
.L_overlay_start_0:
0x88: {  	s2 =	sld [smem:$0x3FD9]  }
0x89: {  	s3 =	sld [smem:$0x3FFE];
	_ =	sdelay $0x1  }
0x8a: {  	s1 =	srdreg.scid  }
0x8b: {  	s0 =	sand.u32 $0x1, s1  }
0x8c: {  	s15 =	sshll.u32 s0, $0xA;
	s2 =	sadd.s32 s3, s2  }
0x8d: {  	s2 =	sadd.s32 s2, s15  }
0x8e: {  	[smem:$0x3FC5] =	sst s2  }
0x8f: {  	_ = 	snop  }
0x90: {  	s2 =	sld [smem:$0x3FD0]  }
0x91: {  	s16 =	sld [smem:$0x3FC9]  }
0x92: {  	s4 =	sld [smem:$0x3FC8]  }
0x93: {  	s6 =	simm.s32 $0xA;
	s7 =	simm.s32 $0x10;
	s5 =	sld [smem:$0x3FC7]  }
0x94: {  	[smem:s7], [sflag:s6] =	dma.local [hbm:s2], $0x1  }
0x95: {  	_ =	swait.eq [sflag:s6], $0x1  }
0x96: {  	[sflag:s6] =	ssyncset.done $0x0  }
0x97: {  	s17 =	sld [smem:$0x10];
	[sflag:s6] =	ssyncadd.s32 $0xFFFFFFFF  }
0x98: {  	s18 =	sld [smem:$0x11];
	(tm) =	ssettm $0x1  }
0x99: {  	s19 =	sld [smem:$0x3FFB];
	_ =	sdelay $0x3  }
0x9a: {  	_ =	strace s19  }
0x9b: {  	s7 =	sld [smem:$0x3FFC];
	_ =	sdelay $0x3  }
0x9c: {  	_ =	strace s7  }
0x9d: {  	s7 =	sld [smem:$0x3FFD];
	_ =	sdelay $0x3  }
0x9e: {  	_ =	strace s7  }
0x9f: {  	_ =	strace $0x8FFFFFFF  }
0xa0: {  	s20 =	sld [smem:$0x3FDB];
	_ =	sdelay $0x1  }
0xa1: {  	s8 =	simm.s32 $_scs_section_size  }
0xa2: {  	s9 =	simm.s32 $_size__tile_overlayer_lowered;
	s10 =	simm.s32 $_tile_overlayer_lowered  }
0xa3: {  	s23 =	simm.s32 $0x1BFF;
	s22 =	sshll.u32 s10, $0x1;
	s7 =	sadd.s32 s8, s20  }
0xa4: {  	s11 =	simm.s32 $0x0;
	s21 =	sshll.u32 s9, $0x1;
	s9 =	sadd.s32 s22, s7  }
0xa5: {  	[timem:s11], [sflag:s23] =	dma.local [hbm:s9], s21  }
0xa6: {  	_ =	swait.ge [sflag:s23], s21  }
0xa7: {  	s8 =	ssub.s32 $0x0, s21;
	[sflag:s23] =	ssyncset.done $0x0  }
0xa8: {  	[sflag:s23] =	ssyncadd.s32 s8;
	_ =	sdelay $0x1  }
0xa9: {  	s24 =	simm.s32 $0x1B8B  }
0xaa: {  	_ =	swait.ge [sflag:s24], $0x1  }
0xab: {  	[sflag:s24] =	ssyncset.done $0x0  }
0xac: {  	s25 =	simm.s32 $0x1B8E;
	[sflag:s24] =	ssyncadd.s32 $0xFFFFFFFF  }
0xad: {  	s26 =	simm.s32 $execute0_lowered;
	[smem:$0x3FD2] =	sst s25  }
0xae: {  	s8 =	sshll.u32 s26, $0x1;
	_ =	strace $0x80000046;
	[dreg:$0x1] =	wrdreg $0xFFFFFFFF  }
0xaf: {  	s28 =	simm.s32 $_size_execute0_lowered;
	s7 =	sadd.s32 s7, s8;
	[dreg:$0x0] =	wrdreg $0x0  }
0xb0: {  	s8 =	sshll.u32 s28, $0x1;
	[dreg:$0x2] =	wrdreg s7  }
0xb1: {  	[dreg:$0x3] =	wrdreg s8  }
0xb2: {  	[dreg:$0x4] =	wrdreg $0xC0  }
0xb3: {  	_ =	task [dreg:s11], $0x5FFFF  }
0xb4: {  	[dreg:$0x1] =	wrdreg $0xFFFFFFFF  }
0xb5: {  	[dreg:$0x0] =	wrdreg $0x60  }
0xb6: {  	[dreg:$0x2] =	wrdreg s16  }
0xb7: {  	[dreg:$0x3] =	wrdreg s4  }
0xb8: {  	[dreg:$0x4] =	wrdreg s5  }
0xb9: {  	[dreg:$0x5] =	wrdreg s17  }
0xba: {  	[dreg:$0x6] =	wrdreg s18  }
0xbb: {  	[dreg:$0x7] =	wrdreg $0x9  }
0xbc: {  	_ =	task.clear_ibuf [dreg:s11], $0x8FFFF;
	_ =	strace $0x90000046  }
0xbd: {  	s29 =	simm.s32 $0x9;
	_ =	strace $0x80000048  }
0xbe: {  	_ =	swait.ge [sflag:s29], $0x1  }
0xbf: {  	[sflag:s29] =	ssyncadd.s32 $0xFFFFFFFF  }
0xc0: {  	_ =	strace $0x90000048  }
0xc1: {  	_ =	sfence  }
0xc2: {  	s30 =	sld [smem:$0x0];
	_ =	sdelay $0x2  }
0xc3: {  	s31 =	sshll.u32 s1, $0xD;
	s1 =	sshrl.u32 s1, $0x2  }
0xc4: {  	s3 =	sand.u32 $0x4000, s31;
	s1 =	sadd.s32 s1, s30  }
0xc5: {  	s0 =	sor.u32 s3, s0;
	s1 =	sshll.u32 s1, $0x11  }
0xc6: {  	s0 =	sor.u32 s1, s0  }
0xc7: {  	s0 =	sadd.s32 $0x8F2B, s0  }
0xc8: {  	[sflag:s0] =	ssyncadd.remote.s32 $0x1  }
0xc9: {  	_ =	sfence.sel $0xFFFF  }
0xca: {  	[dreg:$0x0] =	wrdreg $0xFFFFFFFF;
	(pc) =	sbr.abs _section_cstart, $3  }
0xcb: {  	[dreg:$0x1] =	wrdreg $0xFFFFFFFF  }
0xcc: {  	_ =	task.clear_ibuf [dreg:s11], $0x2FFFF;
	_ =	strace $0x9FFFFFFF  }
0xcd: {  	(tm) =	ssettm $0x7FFFFFFF  }
tec
execute0_lowered:
.L_overlay_start_1:
0x0: {  	(tag) =	ssettag $0x1  }
0x1: {  	s0 =	rddreg [dreg:$0x1]  }
0x2: {  	s1 =	rddreg [dreg:$0x2]  }
0x3: {  	s2 =	rddreg [dreg:$0x3]  }
0x4: {  	s4 =	rddreg [dreg:$0x4];
	s5 =	srdreg.scid;
	s3 =	simm.s32 $0x0  }
0x5: {  	s7 =	stileid.u32;
	s23 =	simm.s32 $0x1;
	s26 =	simm.s32 $0x2  }
0x6: {  	s30 =	simm.s32 $0x3;
	s31 =	simm.s32 $0xC000;
	s5 =	sand.u32 $0x1, s5  }
0x7: {  	s21 =	simm.s32 $0x0;
	s7 =	sshll.u32 s7, $0xD;
	s6 =	ssub.s32 $0x2, s5  }
0x8: {  	[smem:$0x7FF] =	sst s3;
	s5 =	sshll.u32 s5, $0xC;
	s8 =	sshrl.u32 s6, $0x1  }
0x9: {  	_ =	strace $0x80000047;
	s14 =	sor.u32 s5, s7;
	s20 =	ssub.s32 s6, s8  }
0xa: {  	s13 =	sor.u32 $0x400, s14;
	s5 =	sadd.s32 s0, s14;
	s8 =	sadd.s32 s2, s14  }
0xb: {  	s17 =	sor.u32 $0x800, s14;
	s9 =	sadd.s32 s4, s14;
	s19 =	sor.u32 $0xC00, s14  }
0xc: {  	[dreg:$0x6] =	wrdreg s5;
	s5 =	sadd.s32 s1, s14;
	s6 =	sadd.s32 s0, s13  }
0xd: {  	s7 =	sadd.s32 s1, s13;
	s10 =	sadd.s32 s0, s17;
	s11 =	sadd.s32 s1, s17  }
0xe: {  	s12 =	sadd.s32 s2, s13;
	s13 =	sadd.s32 s4, s13;
	s14 =	sadd.s32 s0, s19  }
0xf: {  	s15 =	sadd.s32 s1, s19;
	s16 =	sadd.s32 s2, s17;
	s17 =	sadd.s32 s4, s17  }
0x10: {  	s18 =	sadd.s32 s2, s19;
	s19 =	sadd.s32 s4, s19;
	s20 =	smax.u32 s20, $0x1  }
0x11: {  	s0 =	simm.s32 $0x10000;
	s2 =	simm.s32 $0x4;
	s1 =	simm.s32 $0x5  }
.LBB2_1:
0x12: {  	s4 =	rddreg [dreg:$0x0]  }
0x13: {  	[tilespmem:s3], [sflag:$0x1] =	stream.linear.gather [hbm4b:s4+s3], $0x2000, $0x38;
	[tilespmem:$0x12000] =	vst v63  }
0x14: {  	s25 =	rddreg [dreg:$0x6];
	s22 =	simm.s32 $0x2000  }
0x15: {  	[tilespmem:s22], [sflag:$0x2] =	stream.linear.gather [hbm4b:s25+s3], $0x2000, $0x38;
	[tilespmem:$0x12000] =	vst v63  }
0x16: {  	s28 =	simm.s32 $0x6000  }
0x17: {  	[tilespmem:s28], [sflag:$0x2] =	stream.linear.gather [hbm4b:s5+s3], $0x2000, $0x38;
	[tilespmem:$0x12000] =	vst v63  }
0x18: {  	_ =	swait.ge [sflag:s23], $0x2000  }
0x19: {  	[sflag:s23] =	ssyncset.done $0x0  }
0x1a: {  	s29 =	simm.s32 $0x40;
	[sflag:s23] =	ssyncadd.s32 $0xFFFFE000  }
0x1b: {  	v2 =	vld [tilespmem:s29+$0xFFFFFFC0]  }
0x1c: {  	v3 =	vld [tilespmem:s29+$0xFFFFFFD0]  }
0x1d: {  	v4 =	vld [tilespmem:s29+$0xFFFFFFE0]  }
0x1e: {  	v0 =	vld [tilespmem:s29+$0xFFFFFFF0]  }
0x1f: {  	v5 =	vimm.f32 $-Inf;
	v1 =	vld [tilespmem:s29+$0x0]  }
0x20: {  	v5 =	vmax.f32 v5, v2;
	v2 =	vld [tilespmem:s29+$0x10]  }
0x21: {  	v5 =	vmax.f32 v5, v3;
	v3 =	vld [tilespmem:s29+$0x20]  }
0x22: {  	s4 =	simm.s32 $0x0;
	s22 =	simm.s32 $0xC0;
	v5 =	vmax.f32 v5, v4;
	v4 =	vld [tilespmem:s29+$0x30]  }
.LBB2_2:
0x23: {  	v6 =	vld [tilespmem:s22+$0xFFFFFFC0];
	s4 =	sadd.s32 $0x8, s4;
	v0 =	vmax.f32 v5, v0  }
0x24: {  	v5 =	vld [tilespmem:s22+$0xFFFFFFD0];
	p0 =	slt.u32 s4, $0x1F8;
	v0 =	vmax.f32 v0, v1  }
0x25: {  	v7 =	vld [tilespmem:s22+$0xFFFFFFE0];
	v1 =	vmax.f32 v0, v2  }
.Ltmp0:
0x26: {  	v0 =	vld [tilespmem:s22+$0xFFFFFFF0];
	v2 =	vmax.f32 v1, v3;
	(pc) =	sbr.rel @p0 .LBB2_2-.Ltmp0, $4  }
0x27: {  	v1 =	vld [tilespmem:s22+$0x0];
	v2 =	vmax.f32 v2, v4  }
0x28: {  	v3 =	vmax.f32 v2, v6;
	v2 =	vld [tilespmem:s22+$0x10]  }
0x29: {  	v4 =	vmax.f32 v3, v5;
	v3 =	vld [tilespmem:s22+$0x20]  }
0x2a: {  	v5 =	vmax.f32 v4, v7;
	v4 =	vld [tilespmem:s22+$0x30];
	s22 =	sadd.s32 $0x80, s22  }
0x2b: {  	v0 =	vmax.f32 v5, v0  }
0x2c: {  	v0 =	vmax.f32 v0, v1  }
0x2d: {  	v0 =	vmax.f32 v0, v2  }
0x2e: {  	v0 =	vmax.f32 v0, v3  }
0x2f: {  	v0 =	vmax.f32 v0, v4  }
0x30: {  	(xrf0) =	vmax.scan.msk.f32 $0xffff, v0;
	_ =	sdelay $0x2  }
0x31: {  	s24 =	simm.s32 $0x40  }
0x32: {  	v1 =	vld [tilespmem:s24+$0xFFFFFFC0];
	_ =	sdelay $0x1  }
0x33: {  	v2 =	vld [tilespmem:s24+$0xFFFFFFD0];
	v0, _, _ =	vpop (xrf0)  }
0x34: {  	v0 =	vbroadcast v0, $0xF  }
0x35: {  	v3 =	vld [tilespmem:s24+$0xFFFFFFE0]  }
0x36: {  	v1 =	vsub.f32 v1, v0  }
0x37: {  	v4 =	vld [tilespmem:s24+$0xFFFFFFF0]  }
0x38: {  	v5 =	vld [tilespmem:s24+$0x0];
	v2 =	vsub.f32 v2, v0;
	v1 =	vmul.f32 $1.442695020e+00, v1;
	_ =	sdelay $0x1  }
0x39: {  	v2 =	vmul.f32 $1.442695020e+00, v2;
	(erf) = vpow2.f32 v1;
	v1 =	vsub.f32 v3, v0  }
0x3a: {  	v3 =	vld [tilespmem:s24+$0x10]  }
0x3b: {  	v4 =	vsub.f32 v4, v0;
	(erf) = vpow2.f32 v2;
	v2 =	vld [tilespmem:s24+$0x20];
	v1 =	vmul.f32 $1.442695020e+00, v1  }
0x3c: {  	v5 =	vsub.f32 v5, v0  }
0x3d: {  	v4 =	vmul.f32 $1.442695020e+00, v4;
	(erf) = vpow2.f32 v1  }
0x3e: {  	v1 =	vmul.f32 $1.442695020e+00, v5  }
0x3f: {  	v5 =	vld [tilespmem:s24+$0x30];
	v3 =	vsub.f32 v3, v0;
	(erf) = vpow2.f32 v4  }
0x40: {  	v2 =	vsub.f32 v2, v0  }
0x41: {  	v4 =	vimm.f32 $0.0e+00;
	(erf) = vpow2.f32 v1;
	v3 =	vmul.f32 $1.442695020e+00, v3  }
0x42: {  	v2 =	vmul.f32 $1.442695020e+00, v2;
	v1 =	vpop (erf)  }
0x43: {  	s22 =	simm.s32 $0xC0;
	(erf) = vpow2.f32 v3;
	[tilespmem:s24+$0xFFFFFFC0] =	vst v1;
	v1 =	vadd.f32 v1, v4  }
0x44: {  	v5 =	vsub.f32 v5, v0;
	v4 =	vpop (erf);
	(erf) = vpow2.f32 v2;
	v3 =	vld [tilespmem:s22+$0xFFFFFFC0]  }
0x45: {  	[tilespmem:s24+$0xFFFFFFD0] =	vst v4;
	v1 =	vadd.f32 v4, v1  }
0x46: {  	v5 =	vmul.f32 $1.442695020e+00, v5;
	v2 =	vld [tilespmem:s22+$0xFFFFFFD0];
	v4 =	vpop (erf)  }
0x47: {  	v1 =	vadd.f32 v4, v1  }
0x48: {  	(erf) = vpow2.f32 v5;
	[tilespmem:s24+$0xFFFFFFE0] =	vst v4;
	v4 =	vpop (erf)  }
0x49: {  	v6 =	vld [tilespmem:s22+$0xFFFFFFE0];
	[tilespmem:s24+$0xFFFFFFF0] =	vst v4;
	v4 =	vadd.f32 v4, v1;
	v3 =	vsub.f32 v3, v0  }
0x4a: {  	v8 =	vpop (erf);
	v7 =	vld [tilespmem:s22+$0xFFFFFFF0]  }
0x4b: {  	[tilespmem:s24+$0x0] =	vst v8;
	v2 =	vsub.f32 v2, v0;
	v4 =	vadd.f32 v8, v4;
	v3 =	vmul.f32 $1.442695020e+00, v3  }
0x4c: {  	v1 =	vld [tilespmem:s22+$0x0];
	v8 =	vpop (erf)  }
0x4d: {  	[tilespmem:s24+$0x10] =	vst v8;
	v9 =	vmul.f32 $1.442695020e+00, v2;
	v4 =	vadd.f32 v8, v4;
	v8 =	vpop (erf);
	(erf) = vpow2.f32 v3  }
0x4e: {  	v6 =	vsub.f32 v6, v0;
	v2 =	vld [tilespmem:s22+$0x10]  }
0x4f: {  	v5 =	vsub.f32 v7, v0;
	[tilespmem:s24+$0x20] =	vst v8;
	(erf) = vpow2.f32 v9  }
0x50: {  	s4 =	simm.s32 $0x8;
	v6 =	vmul.f32 $1.442695020e+00, v6;
	v3 =	vld [tilespmem:s22+$0x20];
	v4 =	vadd.f32 v8, v4  }
.LBB2_4:
0x51: {  	s4 =	sadd.s32 $0x8, s4;
	v5 =	vmul.f32 $1.442695020e+00, v5;
	v1 =	vsub.f32 v1, v0;
	v7 =	vpop (erf)  }
0x52: {  	p0 =	slt.u32 s4, $0x1F8;
	(erf) = vpow2.f32 v6;
	[tilespmem:s24+$0x30] =	vst v7;
	v4 =	vadd.f32 v7, v4;
	s24 =	smov.u32 s22  }
0x53: {  	v7 =	vmul.f32 $1.442695020e+00, v1;
	v2 =	vsub.f32 v2, v0;
	v6 =	vld [tilespmem:s22+$0x30];
	(erf) = vpow2.f32 v5;
	_ =	sdelay $0x1  }
0x54: {  	v2 =	vmul.f32 $1.442695020e+00, v2;
	v3 =	vsub.f32 v3, v0;
	(erf) = vpow2.f32 v7  }
0x55: {  	v1 =	vpop (erf)  }
0x56: {  	s22 =	sadd.s32 $0x80, s22;
	[tilespmem:s24+$0xFFFFFFC0] =	vst v1;
	v1 =	vadd.f32 v1, v4;
	v3 =	vmul.f32 $1.442695020e+00, v3;
	(erf) = vpow2.f32 v2  }
0x57: {  	v2 =	vld [tilespmem:s22+$0xFFFFFFC0];
	v4 =	vsub.f32 v6, v0;
	v5 =	vpop (erf)  }
0x58: {  	[tilespmem:s24+$0xFFFFFFD0] =	vst v5;
	v1 =	vadd.f32 v5, v1;
	(erf) = vpow2.f32 v3  }
0x59: {  	v3 =	vld [tilespmem:s22+$0xFFFFFFD0];
	v4 =	vmul.f32 $1.442695020e+00, v4  }
0x5a: {  	v5 =	vpop (erf)  }
0x5b: {  	[tilespmem:s24+$0xFFFFFFE0] =	vst v5;
	v1 =	vadd.f32 v5, v1;
	v5 =	vpop (erf);
	(erf) = vpow2.f32 v4  }
0x5c: {  	v2 =	vsub.f32 v2, v0;
	v4 =	vld [tilespmem:s22+$0xFFFFFFE0];
	[tilespmem:s24+$0xFFFFFFF0] =	vst v5  }
0x5d: {  	v6 =	vld [tilespmem:s22+$0xFFFFFFF0];
	v5 =	vadd.f32 v5, v1;
	v7 =	vpop (erf)  }
0x5e: {  	v2 =	vmul.f32 $1.442695020e+00, v2;
	v3 =	vsub.f32 v3, v0;
	[tilespmem:s24+$0x0] =	vst v7  }
.Ltmp1:
0x5f: {  	v1 =	vld [tilespmem:s22+$0x0];
	v5 =	vadd.f32 v7, v5;
	v7 =	vpop (erf);
	(pc) =	sbr.rel @p0 .LBB2_4-.Ltmp1, $4  }
0x60: {  	v3 =	vmul.f32 $1.442695020e+00, v3;
	(erf) = vpow2.f32 v2;
	[tilespmem:s24+$0x10] =	vst v7  }
0x61: {  	v4 =	vsub.f32 v4, v0;
	v2 =	vld [tilespmem:s22+$0x10];
	v7 =	vadd.f32 v7, v5;
	v8 =	vpop (erf)  }
0x62: {  	v5 =	vsub.f32 v6, v0;
	(erf) = vpow2.f32 v3;
	[tilespmem:s24+$0x20] =	vst v8  }
0x63: {  	v6 =	vmul.f32 $1.442695020e+00, v4;
	v3 =	vld [tilespmem:s22+$0x20];
	v4 =	vadd.f32 v8, v7  }
0x64: {  	v7 =	vpop (erf)  }
0x65: {  	v1 =	vsub.f32 v1, v0;
	[tilespmem:s24+$0x30] =	vst v7  }
0x66: {  	v5 =	vmul.f32 $1.442695020e+00, v5;
	(erf) = vpow2.f32 v6;
	v6 =	vld [tilespmem:s22+$0x30]  }
0x67: {  	v1 =	vmul.f32 $1.442695020e+00, v1;
	v2 =	vsub.f32 v2, v0  }
0x68: {  	(erf) = vpow2.f32 v5  }
0x69: {  	v2 =	vmul.f32 $1.442695020e+00, v2;
	v3 =	vsub.f32 v3, v0  }
0x6a: {  	v4 =	vadd.f32 v7, v4;
	(erf) = vpow2.f32 v1  }
0x6b: {  	v1 =	vpop (erf);
	v3 =	vmul.f32 $1.442695020e+00, v3;
	v0 =	vsub.f32 v6, v0  }
0x6c: {  	(erf) = vpow2.f32 v2;
	v4 =	vadd.f32 v1, v4  }
0x6d: {  	v2 =	vpop (erf);
	v0 =	vmul.f32 $1.442695020e+00, v0  }
0x6e: {  	(erf) = vpow2.f32 v3;
	v4 =	vadd.f32 v2, v4  }
0x6f: {  	v3 =	vpop (erf)  }
0x70: {  	v4 =	vadd.f32 v3, v4;
	(erf) = vpow2.f32 v0  }
0x71: {  	v0 =	vpop (erf)  }
0x72: {  	v4 =	vadd.f32 v0, v4  }
0x73: {  	v5 =	vpop (erf)  }
0x74: {  	v4 =	vadd.f32 v5, v4  }
0x75: {  	v6 =	vpop (erf)  }
0x76: {  	v4 =	vadd.f32 v6, v4  }
0x77: {  	v7 =	vpop (erf)  }
0x78: {  	v4 =	vadd.f32 v7, v4  }
0x79: {  	v8 =	vpop (erf)  }
0x7a: {  	v4 =	vadd.f32 v8, v4;
	_ =	sdelay $0x1  }
0x7b: {  	(xrf2) =	vadd.scan.msk.f32 $0xffff, v4;
	_ =	sdelay $0x9  }
0x7c: {  	v4, _, _ =	vpop (xrf2)  }
0x7d: {  	v4 =	vbroadcast v4, $0xF  }
0x7e: {  	[tilespmem:s22+$0xFFFFFFC0] =	vst v1  }
0x7f: {  	[tilespmem:s22+$0xFFFFFFD0] =	vst v2;
	(erf) = vrcp.f32 v4  }
0x80: {  	[tilespmem:s22+$0xFFFFFFE0] =	vst v3  }
0x81: {  	[tilespmem:s22+$0xFFFFFFF0] =	vst v0  }
0x82: {  	[tilespmem:s22+$0x0] =	vst v5  }
0x83: {  	[tilespmem:s22+$0x10] =	vst v6  }
0x84: {  	[tilespmem:s22+$0x20] =	vst v7  }
0x85: {  	s4 =	simm.s32 $0x4000;
	[tilespmem:s22+$0x30] =	vst v8  }
0x86: {  	[tilespmem:s4], [sflag:$0x3] =	stream.linear.gather [hbm4b:s6+s3], $0x2000, $0x38;
	[tilespmem:$0x12000] =	vst v63  }
0x87: {  	s25 =	simm.s32 $0x8000  }
0x88: {  	[tilespmem:s25], [sflag:$0x3] =	stream.linear.gather [hbm4b:s7+s3], $0x2000, $0x38;
	v0 =	vpop (erf);
	[tilespmem:$0x12000] =	vst v63  }
0x89: {  	_ =	swait.ge [sflag:s26], $0x2000  }
0x8a: {  	[sflag:s26] =	ssyncset.done $0x0  }
0x8b: {  	[sflag:s26] =	ssyncadd.s32 $0xFFFFE000  }
0x8c: {  	_ =	swait.ge [sflag:s26], $0x2000  }
0x8d: {  	[sflag:s26] =	ssyncset.done $0x0  }
0x8e: {  	s22 =	simm.s32 $0x2040;
	[sflag:s26] =	ssyncadd.s32 $0xFFFFE000  }
0x8f: {  	v1 =	vld [tilespmem:s22+$0x30]  }
0x90: {  	s24 =	simm.s32 $0x6040;
	v2 =	vld [tilespmem:s22+$0xFFFFFFD0]  }
0x91: {  	v3 =	vld [tilespmem:s24+$0x30]  }
0x92: {  	v4 =	vld [tilespmem:s22+$0xFFFFFFE0]  }
0x93: {  	v5 =	vld [tilespmem:s22+$0xFFFFFFF0]  }
0x94: {  	v6 =	vld [tilespmem:s22+$0x0]  }
0x95: {  	v7 =	vld [tilespmem:s22+$0x10]  }
0x96: {  	v8 =	vld [tilespmem:s22+$0x20]  }
0x97: {  	v11 =	vld [tilespmem:s24+$0xFFFFFFD0]  }
0x98: {  	v12 =	vld [tilespmem:s24+$0xFFFFFFE0]  }
0x99: {  	s25 =	simm.s32 $0x20C0;
	v13 =	vld [tilespmem:s24+$0xFFFFFFF0]  }
0x9a: {  	v0 =	vmul.f32 $8.192000000e+03, v0;
	v20 =	vld [tilespmem:s25+$0xFFFFFFF0]  }
0x9b: {  	v14 =	vld [tilespmem:s24+$0x0];
	v1 =	vcvt.s32.f32 v1;
	v2 =	vcvt.s32.f32 v2  }
0x9c: {  	v15 =	vld [tilespmem:s24+$0x10];
	v4 =	vcvt.s32.f32 v4;
	v5 =	vcvt.s32.f32 v5  }
0x9d: {  	v6 =	vcvt.s32.f32 v6;
	v7 =	vcvt.s32.f32 v7  }
0x9e: {  	v8 =	vcvt.s32.f32 v8;
	v1 =	vadd.f32 v1, v3;
	v2 =	vadd.f32 v2, v11  }
0x9f: {  	v20 =	vcvt.s32.f32 v20;
	v3 =	vld [tilespmem:s22+$0xFFFFFFC0];
	v4 =	vadd.f32 v4, v12;
	v5 =	vadd.f32 v5, v13  }
0xa0: {  	v9 =	vld [tilespmem:s24+$0xFFFFFFC0];
	v6 =	vadd.f32 v6, v14;
	v10 =	vtrunc.f32 v1;
	v1 =	vmul.f32 $1.220703130e-04, v1  }
0xa1: {  	v7 =	vadd.f32 v7, v15;
	v14 =	vld [tilespmem:s25+$0x30];
	v12 =	vtrunc.f32 v2;
	v13 =	vtrunc.f32 v5  }
0xa2: {  	s22 =	simm.s32 $0x60C0;
	v15 =	vtrunc.f32 v6;
	v10 =	vcvt.f32.s32 v10  }
0xa3: {  	v17 =	vld [tilespmem:s22+$0x30];
	v16 =	vtrunc.f32 v7;
	v2 =	vmul.f32 $1.220703130e-04, v2  }
0xa4: {  	v19 =	vld [tilespmem:s25+$0xFFFFFFE0];
	v5 =	vmul.f32 $1.220703130e-04, v5;
	vm0 =	vlt.s32 v10, $0x1FFF;
	v3 =	vcvt.s32.f32 v3  }
0xa5: {  	v12 =	vcvt.f32.s32 v12;
	v15 =	vcvt.f32.s32 v15;
	v10 =	vnsel vm0, $0x1FFF, v10  }
0xa6: {  	v16 =	vcvt.f32.s32 v16;
	v14 =	vcvt.s32.f32 v14;
	v3 =	vadd.f32 v3, v9;
	v9 =	vld [tilespmem:s24+$0x20]  }
0xa7: {  	v22 =	vld [tilespmem:s25+$0xFFFFFFC0];
	v6 =	vmul.f32 $1.220703130e-04, v6;
	v24 =	vmul.f32 $1.220703130e-04, v7;
	vm1 =	vlt.s32 v12, $0x1FFF  }
0xa8: {  	s4 =	simm.s32 $0xA040;
	v23 =	vld [tilespmem:s25+$0x10];
	vm4 =	vlt.s32 v15, $0x1FFF;
	vm5 =	vlt.s32 v16, $0x1FFF;
	v14 =	vadd.f32 v14, v17  }
0xa9: {  	v25 =	vld [tilespmem:s22+$0xFFFFFFD0];
	[tilespmem:s4+$0x30] =	vst v1;
	v30 =	vnsel vm5, $0x1FFF, v16;
	v16 =	vcvt.s32.f32 v19;
	v11 =	vtrunc.f32 v3  }
0xaa: {  	v17 =	vnsel vm1, $0x1FFF, v12;
	v3 =	vmul.f32 $1.220703130e-04, v3;
	v12 =	vtrunc.f32 v14;
	v10 =	vld.idx.msk [tilespmem:v10+s3+$0x0], $0xffff  }
0xab: {  	v7 =	vld [tilespmem:s22+$0xFFFFFFC0];
	v1 =	vcvt.f32.s32 v11;
	v11 =	vtrunc.f32 v4;
	v8 =	vadd.f32 v8, v9  }
0xac: {  	v29 =	vnsel vm4, $0x1FFF, v15;
	v11 =	vcvt.f32.s32 v11;
	v9 =	vcvt.f32.s32 v13;
	v13 =	vld [tilespmem:s25+$0xFFFFFFD0]  }
0xad: {  	v15 =	vld [tilespmem:s22+$0xFFFFFFF0];
	v4 =	vmul.f32 $1.220703130e-04, v4;
	vm0 =	vlt.s32 v1, $0x1FFF;
	v18 =	vtrunc.f32 v8  }
0xae: {  	vm2 =	vlt.s32 v11, $0x1FFF;
	v26 =	vmul.f32 $1.220703130e-04, v8;
	v8 =	vcvt.f32.s32 v12;
	v12 =	vld [tilespmem:s25+$0x20]  }
0xaf: {  	vm3 =	vlt.s32 v9, $0x1FFF;
	v27 =	vnsel vm2, $0x1FFF, v11;
	v21 =	vmul.f32 v10, v0;
	v10 =	vld [tilespmem:s25+$0x0]  }
0xb0: {  	v11 =	vld [tilespmem:s22+$0xFFFFFFE0];
	v18 =	vcvt.f32.s32 v18;
	v28 =	vnsel vm3, $0x1FFF, v9;
	v9 =	vcvt.s32.f32 v22  }
0xb1: {  	v31 =	vld [tilespmem:s22+$0x20];
	v1 =	vnsel vm0, $0x1FFF, v1;
	vm0 =	vlt.s32 v8, $0x1FFF;
	v13 =	vcvt.s32.f32 v13  }
0xb2: {  	v9 =	vadd.f32 v9, v7;
	v7 =	vld [tilespmem:s22+$0x0];
	v19 =	vnsel vm0, $0x1FFF, v8;
	vm0 =	vlt.s32 v18, $0x1FFF  }
0xb3: {  	[tilespmem:s4+$0xFFFFFFD0] =	vst v2;
	v32 =	vnsel vm0, $0x1FFF, v18;
	v8 =	vadd.f32 v13, v25;
	v18 =	vcvt.s32.f32 v12  }
0xb4: {  	v63 =	vld [tilespmem:s22+$0x10];
	[tilespmem:s4+$0xFFFFFFC0] =	vst v3;
	v12 =	vadd.f32 v20, v15;
	v13 =	vtrunc.f32 v9;
	v3 =	vcvt.s32.f32 v10  }
0xb5: {  	v2 =	vld.idx.msk [tilespmem:v17+s3+$0x0], $0xffff;
	v10 =	vadd.f32 v16, v11;
	v11 =	vmul.f32 $1.220703130e-04, v14;
	v14 =	vcvt.s32.f32 v23  }
0xb6: {  	s24 =	simm.s32 $0xA0C0;
	[tilespmem:s4+$0xFFFFFFE0] =	vst v4;
	v1 =	vld.idx.msk [tilespmem:v1+s3+$0x0], $0xffff;
	v15 =	vtrunc.f32 v8;
	v4 =	vtrunc.f32 v12;
	v20 =	vadd.f32 v18, v31  }
0xb7: {  	[tilespmem:s24+$0x30] =	vst v11;
	v11 =	vcvt.f32.s32 v13;
	v16 =	vadd.f32 v3, v7;
	v3 =	vtrunc.f32 v10;
	v7 =	vld.idx.msk [tilespmem:v27+s3+$0x0], $0xffff  }
0xb8: {  	[tilespmem:s4+$0x0] =	vst v6;
	v13 =	vcvt.f32.s32 v15;
	v15 =	vcvt.f32.s32 v4;
	v22 =	vld.idx.msk [tilespmem:v19+s3+$0x0], $0xffff  }
0xb9: {  	[tilespmem:s4+$0xFFFFFFF0] =	vst v5;
	v17 =	vadd.f32 v14, v63;
	v4 =	vld.idx.msk [tilespmem:v29+s3+$0x0], $0xffff;
	v18 =	vtrunc.f32 v20;
	v14 =	vcvt.f32.s32 v3  }
0xba: {  	[tilespmem:s4+$0x10] =	vst v24;
	v3 =	vld.idx.msk [tilespmem:v28+s3+$0x0], $0xffff;
	v18 =	vcvt.f32.s32 v18;
	v5 =	vtrunc.f32 v16  }
0xbb: {  	s28 =	simm.s32 $0xE040;
	[tilespmem:s4+$0x20] =	vst v26;
	vm0 =	vlt.s32 v11, $0x1FFF;
	v6 =	vtrunc.f32 v17;
	v19 =	vcvt.f32.s32 v5;
	v5 =	vld.idx.msk [tilespmem:v30+s3+$0x0], $0xffff  }
0xbc: {  	s29 =	simm.s32 $0x80;
	s4 =	simm.s32 $0x2140;
	s25 =	simm.s32 $0xE040;
	[tilespmem:s28+$0x30] =	vst v21;
	vm1 =	vlt.s32 v13, $0x1FFF;
	vm2 =	vlt.s32 v14, $0x1FFF;
	v21 =	vcvt.f32.s32 v6;
	v6 =	vld.idx.msk [tilespmem:v32+s3+$0x0], $0xffff  }
.LBB2_6:
0xbd: {  	v23 =	vld [tilespmem:s4+$0x30];
	s29 =	sadd.s32 $0x80, s29;
	v9 =	vmul.f32 $1.220703130e-04, v9;
	vm3 =	vlt.s32 v15, $0x1FFF;
	v22 =	vmul.f32 v22, v0  }
0xbe: {  	v8 =	vmul.f32 $1.220703130e-04, v8;
	v10 =	vmul.f32 $1.220703130e-04, v10;
	vm4 =	vlt.s32 v19, $0x1FFF;
	s22 =	sadd.s32 $0x80, s22;
	s28 =	sadd.s32 $0x80, s28;
	v24 =	vld [tilespmem:s4+$0xFFFFFFD0];
	p0 =	slt.u32 s29, $0x1F80  }
0xbf: {  	v12 =	vmul.f32 $1.220703130e-04, v12;
	v16 =	vmul.f32 $1.220703130e-04, v16;
	vm5 =	vlt.s32 v21, $0x1FFF;
	v25 =	vld [tilespmem:s22+$0x30];
	[tilespmem:s28+$0x30] =	vst v22  }
0xc0: {  	vm6 =	vlt.s32 v18, $0x1FFF;
	v22 =	vld [tilespmem:s4+$0xFFFFFFE0];
	[tilespmem:s24+$0xFFFFFFC0] =	vst v9;
	v9 =	vmul.f32 $1.220703130e-04, v17;
	v17 =	vmul.f32 $1.220703130e-04, v20  }
0xc1: {  	v11 =	vnsel vm0, $0x1FFF, v11;
	v13 =	vnsel vm1, $0x1FFF, v13;
	v14 =	vnsel vm2, $0x1FFF, v14;
	v20 =	vld [tilespmem:s4+$0xFFFFFFF0];
	[tilespmem:s24+$0xFFFFFFD0] =	vst v8  }
0xc2: {  	v15 =	vnsel vm3, $0x1FFF, v15;
	v19 =	vnsel vm4, $0x1FFF, v19;
	v8 =	vld [tilespmem:s4+$0x0];
	v23 =	vcvt.s32.f32 v23;
	[tilespmem:s24+$0xFFFFFFE0] =	vst v10  }
0xc3: {  	v21 =	vnsel vm5, $0x1FFF, v21;
	v26 =	vnsel vm6, $0x1FFF, v18;
	v10 =	vcvt.s32.f32 v24;
	v24 =	vld [tilespmem:s4+$0x10];
	[tilespmem:s24+$0xFFFFFFF0] =	vst v12  }
0xc4: {  	v1 =	vmul.f32 v1, v0;
	v2 =	vmul.f32 v2, v0;
	v12 =	vld [tilespmem:s4+$0x20];
	v18 =	vadd.f32 v23, v25;
	[tilespmem:s24+$0x0] =	vst v16  }
0xc5: {  	v7 =	vmul.f32 v7, v0;
	v16 =	vld [tilespmem:s4+$0xFFFFFFC0];
	v22 =	vcvt.s32.f32 v22;
	[tilespmem:s24+$0x10] =	vst v9  }
0xc6: {  	v9 =	vld [tilespmem:s22+$0xFFFFFFC0];
	v20 =	vcvt.s32.f32 v20;
	v23 =	vtrunc.f32 v18;
	[tilespmem:s24+$0x20] =	vst v17  }
0xc7: {  	v17 =	vld [tilespmem:s22+$0xFFFFFFD0];
	v25 =	vcvt.s32.f32 v8;
	v8 =	vcvt.f32.s32 v23;
	[tilespmem:s25+$0xFFFFFFC0] =	vst v1  }
0xc8: {  	v1 =	vld [tilespmem:s22+$0xFFFFFFE0];
	v23 =	vcvt.s32.f32 v24;
	[tilespmem:s25+$0xFFFFFFD0] =	vst v2;
	v2 =	vmul.f32 v3, v0  }
0xc9: {  	v4 =	vmul.f32 v4, v0;
	v3 =	vld [tilespmem:s22+$0xFFFFFFF0];
	v24 =	vcvt.s32.f32 v12;
	vm0 =	vlt.s32 v8, $0x1FFF;
	[tilespmem:s25+$0xFFFFFFE0] =	vst v7  }
0xca: {  	v7 =	vcvt.s32.f32 v16;
	v16 =	vld [tilespmem:s22+$0x0];
	v27 =	vnsel vm0, $0x1FFF, v8;
	[tilespmem:s25+$0xFFFFFFF0] =	vst v2;
	v2 =	vmul.f32 v5, v0  }
0xcb: {  	v5 =	vld [tilespmem:s22+$0x10];
	[tilespmem:s25+$0x0] =	vst v4;
	v4 =	vmul.f32 v6, v0  }
0xcc: {  	v9 =	vadd.f32 v7, v9;
	v8 =	vadd.f32 v10, v17;
	v6 =	vld [tilespmem:s22+$0x20];
	v7 =	vmul.f32 $1.220703130e-04, v18;
	[tilespmem:s25+$0x10] =	vst v2  }
0xcd: {  	s24 =	sadd.s32 $0x80, s24;
	v10 =	vadd.f32 v22, v1;
	v1 =	vld.idx.msk [tilespmem:v11+s3+$0x0], $0xffff;
	[tilespmem:s25+$0x20] =	vst v4;
	s25 =	smov.u32 s28  }
0xce: {  	v4 =	vtrunc.f32 v9;
	v17 =	vtrunc.f32 v8;
	v12 =	vadd.f32 v20, v3;
	[tilespmem:s24+$0x30] =	vst v7;
	v2 =	vld.idx.msk [tilespmem:v13+s3+$0x0], $0xffff  }
0xcf: {  	v11 =	vcvt.f32.s32 v4;
	v3 =	vtrunc.f32 v10;
	v16 =	vadd.f32 v25, v16;
	v22 =	vld.idx.msk [tilespmem:v27+s3+$0x0], $0xffff  }
.Ltmp2:
0xd0: {  	v13 =	vcvt.f32.s32 v17;
	v4 =	vtrunc.f32 v12;
	v17 =	vadd.f32 v23, v5;
	v7 =	vld.idx.msk [tilespmem:v14+s3+$0x0], $0xffff;
	(pc) =	sbr.rel @p0 .LBB2_6-.Ltmp2, $4  }
0xd1: {  	v14 =	vcvt.f32.s32 v3;
	v5 =	vtrunc.f32 v16;
	v20 =	vadd.f32 v24, v6;
	v3 =	vld.idx.msk [tilespmem:v15+s3+$0x0], $0xffff  }
0xd2: {  	vm0 =	vlt.s32 v11, $0x1FFF;
	v15 =	vcvt.f32.s32 v4;
	v6 =	vtrunc.f32 v17;
	v4 =	vld.idx.msk [tilespmem:v19+s3+$0x0], $0xffff  }
0xd3: {  	vm1 =	vlt.s32 v13, $0x1FFF;
	v19 =	vcvt.f32.s32 v5;
	v18 =	vtrunc.f32 v20;
	v5 =	vld.idx.msk [tilespmem:v21+s3+$0x0], $0xffff  }
0xd4: {  	s4 =	sadd.s32 $0x80, s4;
	vm2 =	vlt.s32 v14, $0x1FFF;
	v21 =	vcvt.f32.s32 v6;
	v18 =	vcvt.f32.s32 v18;
	v6 =	vld.idx.msk [tilespmem:v26+s3+$0x0], $0xffff  }
0xd5: {  	v22 =	vmul.f32 v22, v0  }
0xd6: {  	v9 =	vmul.f32 $1.220703130e-04, v9;
	s4 =	sadd.s32 $0x80, s28  }
0xd7: {  	v8 =	vmul.f32 $1.220703130e-04, v8;
	[tilespmem:s4+$0x30] =	vst v22  }
0xd8: {  	v10 =	vmul.f32 $1.220703130e-04, v10;
	[tilespmem:s24+$0xFFFFFFC0] =	vst v9  }
0xd9: {  	v1 =	vmul.f32 v1, v0;
	[tilespmem:s24+$0xFFFFFFD0] =	vst v8  }
0xda: {  	v11 =	vnsel vm0, $0x1FFF, v11;
	v9 =	vmul.f32 $1.220703130e-04, v12;
	[tilespmem:s24+$0xFFFFFFE0] =	vst v10  }
0xdb: {  	v8 =	vmul.f32 $1.220703130e-04, v16;
	v12 =	vnsel vm1, $0x1FFF, v13;
	[tilespmem:s25+$0xFFFFFFC0] =	vst v1  }
0xdc: {  	vm0 =	vlt.s32 v15, $0x1FFF;
	v10 =	vmul.f32 $1.220703130e-04, v17;
	v13 =	vnsel vm2, $0x1FFF, v14;
	[tilespmem:s24+$0xFFFFFFF0] =	vst v9  }
0xdd: {  	vm1 =	vlt.s32 v19, $0x1FFF;
	v9 =	vmul.f32 $1.220703130e-04, v20;
	[tilespmem:s24+$0x0] =	vst v8;
	v8 =	vnsel vm0, $0x1FFF, v15  }
0xde: {  	v2 =	vmul.f32 v2, v0;
	[tilespmem:s24+$0x10] =	vst v10;
	vm0 =	vlt.s32 v21, $0x1FFF;
	v10 =	vnsel vm1, $0x1FFF, v19  }
0xdf: {  	v7 =	vmul.f32 v7, v0;
	vm1 =	vlt.s32 v18, $0x1FFF;
	v1 =	vld.idx.msk [tilespmem:v11+s3+$0x0], $0xffff;
	[tilespmem:s24+$0x20] =	vst v9;
	v9 =	vnsel vm0, $0x1FFF, v21  }
0xe0: {  	[tilespmem:s25+$0xFFFFFFD0] =	vst v2;
	v2 =	vmul.f32 v3, v0;
	v11 =	vnsel vm1, $0x1FFF, v18;
	v3 =	vld.idx.msk [tilespmem:v12+s3+$0x0], $0xffff  }
0xe1: {  	[tilespmem:s25+$0xFFFFFFE0] =	vst v7;
	v4 =	vmul.f32 v4, v0;
	v7 =	vld.idx.msk [tilespmem:v13+s3+$0x0], $0xffff  }
0xe2: {  	[tilespmem:s25+$0xFFFFFFF0] =	vst v2;
	v2 =	vmul.f32 v5, v0;
	v5 =	vld.idx.msk [tilespmem:v8+s3+$0x0], $0xffff  }
0xe3: {  	[tilespmem:s25+$0x0] =	vst v4;
	v4 =	vmul.f32 v6, v0;
	v6 =	vld.idx.msk [tilespmem:v10+s3+$0x0], $0xffff  }
0xe4: {  	[tilespmem:s25+$0x10] =	vst v2;
	v1 =	vmul.f32 v1, v0;
	v2 =	vld.idx.msk [tilespmem:v9+s3+$0x0], $0xffff  }
0xe5: {  	[tilespmem:s25+$0x20] =	vst v4;
	v4 =	vld.idx.msk [tilespmem:v11+s3+$0x0], $0xffff;
	v3 =	vmul.f32 v3, v0  }
0xe6: {  	v7 =	vmul.f32 v7, v0;
	[tilespmem:s4+$0xFFFFFFC0] =	vst v1  }
0xe7: {  	[tilespmem:s4+$0xFFFFFFD0] =	vst v3;
	v1 =	vmul.f32 v5, v0  }
0xe8: {  	[tilespmem:s4+$0xFFFFFFE0] =	vst v7;
	v3 =	vmul.f32 v6, v0  }
0xe9: {  	[tilespmem:s4+$0xFFFFFFF0] =	vst v1;
	v1 =	vmul.f32 v2, v0  }
0xea: {  	[tilespmem:s4+$0x0] =	vst v3;
	v2 =	vmul.f32 v4, v0  }
0xeb: {  	[tilespmem:s4+$0x10] =	vst v1  }
0xec: {  	s22 =	simm.s32 $0xA000;
	[tilespmem:s4+$0x20] =	vst v2  }
0xed: {  	[hbm4b:s8+s3] =	stream.linear.scatter [tilespmem:s22], [sflag:$0x4], $0x2000, $0x38;
	[tilespmem:$0x12000] =	vst v63  }
0xee: {  	s24 =	simm.s32 $0xE000  }
0xef: {  	[hbm4b:s9+s3] =	stream.linear.scatter [tilespmem:s24], [sflag:$0x4], $0x2000, $0x38;
	[tilespmem:$0x12000] =	vst v63  }
0xf0: {  	s25 =	simm.s32 $0x2000  }
0xf1: {  	[tilespmem:s25], [sflag:$0x2] =	stream.linear.gather [hbm4b:s10+s3], $0x2000, $0x38;
	[tilespmem:$0x12000] =	vst v63  }
0xf2: {  	s22 =	simm.s32 $0x6000  }
0xf3: {  	[tilespmem:s22], [sflag:$0x2] =	stream.linear.gather [hbm4b:s11+s3], $0x2000, $0x38;
	[tilespmem:$0x12000] =	vst v63  }
0xf4: {  	_ =	swait.ge [sflag:s30], $0x2000  }
0xf5: {  	[sflag:s30] =	ssyncset.done $0x0  }
0xf6: {  	[sflag:s30] =	ssyncadd.s32 $0xFFFFE000  }
0xf7: {  	_ =	swait.ge [sflag:s30], $0x2000  }
0xf8: {  	[sflag:s30] =	ssyncset.done $0x0  }
0xf9: {  	s24 =	simm.s32 $0x4040;
	[sflag:s30] =	ssyncadd.s32 $0xFFFFE000  }
0xfa: {  	v1 =	vld [tilespmem:s24+$0x30]  }
0xfb: {  	s22 =	simm.s32 $0x8040;
	v2 =	vld [tilespmem:s24+$0xFFFFFFD0]  }
0xfc: {  	v3 =	vld [tilespmem:s22+$0x30]  }
0xfd: {  	v4 =	vld [tilespmem:s24+$0xFFFFFFE0]  }
0xfe: {  	v5 =	vld [tilespmem:s24+$0xFFFFFFF0]  }
0xff: {  	v6 =	vld [tilespmem:s24+$0x0]  }
0x100: {  	v7 =	vld [tilespmem:s24+$0x10]  }
0x101: {  	v8 =	vld [tilespmem:s24+$0x20]  }
0x102: {  	v11 =	vld [tilespmem:s22+$0xFFFFFFD0]  }
0x103: {  	v12 =	vld [tilespmem:s22+$0xFFFFFFE0]  }
0x104: {  	s25 =	simm.s32 $0x40C0;
	v13 =	vld [tilespmem:s22+$0xFFFFFFF0]  }
0x105: {  	v20 =	vld [tilespmem:s25+$0xFFFFFFF0]  }
0x106: {  	v14 =	vld [tilespmem:s22+$0x0];
	v1 =	vcvt.s32.f32 v1  }
0x107: {  	v15 =	vld [tilespmem:s22+$0x10];
	v2 =	vcvt.s32.f32 v2;
	v4 =	vcvt.s32.f32 v4  }
0x108: {  	v5 =	vcvt.s32.f32 v5;
	v6 =	vcvt.s32.f32 v6  }
0x109: {  	v7 =	vcvt.s32.f32 v7;
	v8 =	vcvt.s32.f32 v8;
	v1 =	vadd.f32 v1, v3  }
0x10a: {  	v20 =	vcvt.s32.f32 v20;
	v3 =	vld [tilespmem:s24+$0xFFFFFFC0];
	v2 =	vadd.f32 v2, v11;
	v4 =	vadd.f32 v4, v12  }
0x10b: {  	v5 =	vadd.f32 v5, v13;
	v6 =	vadd.f32 v6, v14;
	v10 =	vtrunc.f32 v1  }
0x10c: {  	v9 =	vld [tilespmem:s22+$0xFFFFFFC0];
	v7 =	vadd.f32 v7, v15;
	v1 =	vmul.f32 $1.220703130e-04, v1;
	v12 =	vtrunc.f32 v2  }
0x10d: {  	v13 =	vtrunc.f32 v5;
	v10 =	vcvt.f32.s32 v10  }
0x10e: {  	v14 =	vld [tilespmem:s25+$0x30];
	v15 =	vtrunc.f32 v6;
	v16 =	vtrunc.f32 v7  }
0x10f: {  	v2 =	vmul.f32 $1.220703130e-04, v2;
	vm0 =	vlt.s32 v10, $0x1FFF;
	v3 =	vcvt.s32.f32 v3  }
0x110: {  	v19 =	vld [tilespmem:s25+$0xFFFFFFE0];
	v5 =	vmul.f32 $1.220703130e-04, v5;
	v12 =	vcvt.f32.s32 v12;
	v10 =	vnsel vm0, $0x1FFF, v10  }
0x111: {  	v6 =	vmul.f32 $1.220703130e-04, v6;
	v15 =	vcvt.f32.s32 v15;
	v3 =	vadd.f32 v3, v9;
	v9 =	vld [tilespmem:s22+$0x20]  }
0x112: {  	v22 =	vld [tilespmem:s25+$0xFFFFFFC0];
	v24 =	vmul.f32 $1.220703130e-04, v7;
	v16 =	vcvt.f32.s32 v16;
	vm1 =	vlt.s32 v12, $0x1FFF;
	s22 =	simm.s32 $0x80C0  }
0x113: {  	s4 =	simm.s32 $0xC040;
	v14 =	vcvt.s32.f32 v14;
	vm4 =	vlt.s32 v15, $0x1FFF;
	v17 =	vld [tilespmem:s22+$0x30];
	v11 =	vtrunc.f32 v3  }
0x114: {  	v23 =	vld [tilespmem:s25+$0x10];
	[tilespmem:s4+$0x30] =	vst v1;
	vm5 =	vlt.s32 v16, $0x1FFF;
	v1 =	vcvt.f32.s32 v11;
	v11 =	vtrunc.f32 v4  }
0x115: {  	v29 =	vnsel vm4, $0x1FFF, v15;
	v30 =	vnsel vm5, $0x1FFF, v16;
	v10 =	vld.idx.msk [tilespmem:v10+s3+$0x0], $0xffff;
	v11 =	vcvt.f32.s32 v11  }
0x116: {  	v16 =	vcvt.s32.f32 v19;
	v7 =	vld [tilespmem:s22+$0xFFFFFFC0];
	v3 =	vmul.f32 $1.220703130e-04, v3;
	v8 =	vadd.f32 v8, v9  }
0x117: {  	v9 =	vcvt.f32.s32 v13;
	v13 =	vld [tilespmem:s25+$0xFFFFFFD0];
	vm0 =	vlt.s32 v1, $0x1FFF;
	vm2 =	vlt.s32 v11, $0x1FFF  }
0x118: {  	v25 =	vld [tilespmem:s22+$0xFFFFFFD0];
	v14 =	vadd.f32 v14, v17;
	v1 =	vnsel vm0, $0x1FFF, v1;
	v17 =	vnsel vm1, $0x1FFF, v12  }
0x119: {  	v15 =	vld [tilespmem:s22+$0xFFFFFFF0];
	v18 =	vtrunc.f32 v8;
	vm3 =	vlt.s32 v9, $0x1FFF;
	v26 =	vmul.f32 $1.220703130e-04, v8  }
0x11a: {  	v27 =	vnsel vm2, $0x1FFF, v11;
	v12 =	vtrunc.f32 v14;
	v21 =	vmul.f32 v10, v0;
	v10 =	vld [tilespmem:s25+$0x0]  }
0x11b: {  	v11 =	vld [tilespmem:s22+$0xFFFFFFE0];
	v28 =	vnsel vm3, $0x1FFF, v9;
	v9 =	vcvt.s32.f32 v22;
	v8 =	vcvt.f32.s32 v12  }
0x11c: {  	v18 =	vcvt.f32.s32 v18;
	v12 =	vld [tilespmem:s25+$0x20];
	v13 =	vcvt.s32.f32 v13  }
0x11d: {  	v4 =	vmul.f32 $1.220703130e-04, v4;
	v9 =	vadd.f32 v9, v7;
	v7 =	vld [tilespmem:s22+$0x0];
	vm0 =	vlt.s32 v8, $0x1FFF  }
0x11e: {  	v63 =	vld [tilespmem:s22+$0x10];
	v19 =	vnsel vm0, $0x1FFF, v8;
	vm0 =	vlt.s32 v18, $0x1FFF;
	v8 =	vadd.f32 v13, v25  }
0x11f: {  	v31 =	vld [tilespmem:s22+$0x20];
	[tilespmem:s4+$0xFFFFFFC0] =	vst v3;
	v13 =	vtrunc.f32 v9;
	v32 =	vnsel vm0, $0x1FFF, v18;
	v3 =	vcvt.s32.f32 v10  }
0x120: {  	[tilespmem:s4+$0xFFFFFFD0] =	vst v2;
	v1 =	vld.idx.msk [tilespmem:v1+s3+$0x0], $0xffff;
	v10 =	vadd.f32 v16, v11;
	v11 =	vmul.f32 $1.220703130e-04, v14;
	v14 =	vcvt.s32.f32 v23  }
0x121: {  	s24 =	simm.s32 $0xC0C0;
	[tilespmem:s4+$0xFFFFFFE0] =	vst v4;
	v2 =	vld.idx.msk [tilespmem:v17+s3+$0x0], $0xffff;
	v18 =	vcvt.s32.f32 v12;
	v12 =	vadd.f32 v20, v15;
	v15 =	vtrunc.f32 v8  }
0x122: {  	[tilespmem:s24+$0x30] =	vst v11;
	v11 =	vcvt.f32.s32 v13;
	v16 =	vadd.f32 v3, v7;
	v3 =	vtrunc.f32 v10;
	v7 =	vld.idx.msk [tilespmem:v27+s3+$0x0], $0xffff  }
0x123: {  	[tilespmem:s4+$0xFFFFFFF0] =	vst v5;
	v13 =	vcvt.f32.s32 v15;
	v17 =	vadd.f32 v14, v63;
	v4 =	vtrunc.f32 v12;
	v22 =	vld.idx.msk [tilespmem:v19+s3+$0x0], $0xffff  }
0x124: {  	[tilespmem:s4+$0x0] =	vst v6;
	v20 =	vadd.f32 v18, v31;
	v14 =	vcvt.f32.s32 v3;
	v3 =	vld.idx.msk [tilespmem:v28+s3+$0x0], $0xffff;
	v15 =	vcvt.f32.s32 v4  }
0x125: {  	[tilespmem:s4+$0x10] =	vst v24;
	v4 =	vld.idx.msk [tilespmem:v29+s3+$0x0], $0xffff;
	v5 =	vtrunc.f32 v16;
	vm0 =	vlt.s32 v11, $0x1FFF;
	v6 =	vtrunc.f32 v17  }
0x126: {  	s28 =	simm.s32 $0x10040;
	[tilespmem:s4+$0x20] =	vst v26;
	vm1 =	vlt.s32 v13, $0x1FFF;
	v18 =	vtrunc.f32 v20;
	v19 =	vcvt.f32.s32 v5;
	v5 =	vld.idx.msk [tilespmem:v30+s3+$0x0], $0xffff  }
0x127: {  	s29 =	simm.s32 $0x80;
	s4 =	simm.s32 $0x4140;
	s25 =	simm.s32 $0x10040;
	[tilespmem:s28+$0x30] =	vst v21;
	vm2 =	vlt.s32 v14, $0x1FFF;
	v21 =	vcvt.f32.s32 v6;
	v18 =	vcvt.f32.s32 v18;
	v6 =	vld.idx.msk [tilespmem:v32+s3+$0x0], $0xffff  }
.LBB2_8:
0x128: {  	v23 =	vld [tilespmem:s4+$0x30];
	s29 =	sadd.s32 $0x80, s29;
	v9 =	vmul.f32 $1.220703130e-04, v9;
	vm3 =	vlt.s32 v15, $0x1FFF;
	v22 =	vmul.f32 v22, v0  }
0x129: {  	v8 =	vmul.f32 $1.220703130e-04, v8;
	v10 =	vmul.f32 $1.220703130e-04, v10;
	vm4 =	vlt.s32 v19, $0x1FFF;
	s22 =	sadd.s32 $0x80, s22;
	s28 =	sadd.s32 $0x80, s28;
	v24 =	vld [tilespmem:s4+$0xFFFFFFD0];
	p0 =	slt.u32 s29, $0x1F80  }
0x12a: {  	v12 =	vmul.f32 $1.220703130e-04, v12;
	v16 =	vmul.f32 $1.220703130e-04, v16;
	vm5 =	vlt.s32 v21, $0x1FFF;
	v25 =	vld [tilespmem:s22+$0x30];
	[tilespmem:s28+$0x30] =	vst v22  }
0x12b: {  	vm6 =	vlt.s32 v18, $0x1FFF;
	v22 =	vld [tilespmem:s4+$0xFFFFFFE0];
	[tilespmem:s24+$0xFFFFFFC0] =	vst v9;
	v9 =	vmul.f32 $1.220703130e-04, v17;
	v17 =	vmul.f32 $1.220703130e-04, v20  }
0x12c: {  	v11 =	vnsel vm0, $0x1FFF, v11;
	v13 =	vnsel vm1, $0x1FFF, v13;
	v14 =	vnsel vm2, $0x1FFF, v14;
	v20 =	vld [tilespmem:s4+$0xFFFFFFF0];
	[tilespmem:s24+$0xFFFFFFD0] =	vst v8  }
0x12d: {  	v15 =	vnsel vm3, $0x1FFF, v15;
	v19 =	vnsel vm4, $0x1FFF, v19;
	v8 =	vld [tilespmem:s4+$0x0];
	v23 =	vcvt.s32.f32 v23;
	[tilespmem:s24+$0xFFFFFFE0] =	vst v10  }
0x12e: {  	v21 =	vnsel vm5, $0x1FFF, v21;
	v26 =	vnsel vm6, $0x1FFF, v18;
	v10 =	vcvt.s32.f32 v24;
	v24 =	vld [tilespmem:s4+$0x10];
	[tilespmem:s24+$0xFFFFFFF0] =	vst v12  }
0x12f: {  	v1 =	vmul.f32 v1, v0;
	v2 =	vmul.f32 v2, v0;
	v12 =	vld [tilespmem:s4+$0x20];
	v18 =	vadd.f32 v23, v25;
	[tilespmem:s24+$0x0] =	vst v16  }
0x130: {  	v7 =	vmul.f32 v7, v0;
	v16 =	vld [tilespmem:s4+$0xFFFFFFC0];
	v22 =	vcvt.s32.f32 v22;
	[tilespmem:s24+$0x10] =	vst v9  }
0x131: {  	v9 =	vld [tilespmem:s22+$0xFFFFFFC0];
	v20 =	vcvt.s32.f32 v20;
	v23 =	vtrunc.f32 v18;
	[tilespmem:s24+$0x20] =	vst v17  }
0x132: {  	v17 =	vld [tilespmem:s22+$0xFFFFFFD0];
	v25 =	vcvt.s32.f32 v8;
	v8 =	vcvt.f32.s32 v23;
	[tilespmem:s25+$0xFFFFFFC0] =	vst v1  }
0x133: {  	v1 =	vld [tilespmem:s22+$0xFFFFFFE0];
	v23 =	vcvt.s32.f32 v24;
	[tilespmem:s25+$0xFFFFFFD0] =	vst v2;
	v2 =	vmul.f32 v3, v0  }
0x134: {  	v4 =	vmul.f32 v4, v0;
	v3 =	vld [tilespmem:s22+$0xFFFFFFF0];
	v24 =	vcvt.s32.f32 v12;
	vm0 =	vlt.s32 v8, $0x1FFF;
	[tilespmem:s25+$0xFFFFFFE0] =	vst v7  }
0x135: {  	v7 =	vcvt.s32.f32 v16;
	v16 =	vld [tilespmem:s22+$0x0];
	v27 =	vnsel vm0, $0x1FFF, v8;
	[tilespmem:s25+$0xFFFFFFF0] =	vst v2;
	v2 =	vmul.f32 v5, v0  }
0x136: {  	v5 =	vld [tilespmem:s22+$0x10];
	[tilespmem:s25+$0x0] =	vst v4;
	v4 =	vmul.f32 v6, v0  }
0x137: {  	v9 =	vadd.f32 v7, v9;
	v8 =	vadd.f32 v10, v17;
	v6 =	vld [tilespmem:s22+$0x20];
	v7 =	vmul.f32 $1.220703130e-04, v18;
	[tilespmem:s25+$0x10] =	vst v2  }
0x138: {  	s24 =	sadd.s32 $0x80, s24;
	v10 =	vadd.f32 v22, v1;
	v1 =	vld.idx.msk [tilespmem:v11+s3+$0x0], $0xffff;
	[tilespmem:s25+$0x20] =	vst v4;
	s25 =	smov.u32 s28  }
0x139: {  	v4 =	vtrunc.f32 v9;
	v17 =	vtrunc.f32 v8;
	v12 =	vadd.f32 v20, v3;
	[tilespmem:s24+$0x30] =	vst v7;
	v2 =	vld.idx.msk [tilespmem:v13+s3+$0x0], $0xffff  }
0x13a: {  	v11 =	vcvt.f32.s32 v4;
	v3 =	vtrunc.f32 v10;
	v16 =	vadd.f32 v25, v16;
	v22 =	vld.idx.msk [tilespmem:v27+s3+$0x0], $0xffff  }
.Ltmp3:
0x13b: {  	v13 =	vcvt.f32.s32 v17;
	v4 =	vtrunc.f32 v12;
	v17 =	vadd.f32 v23, v5;
	v7 =	vld.idx.msk [tilespmem:v14+s3+$0x0], $0xffff;
	(pc) =	sbr.rel @p0 .LBB2_8-.Ltmp3, $4  }
0x13c: {  	v14 =	vcvt.f32.s32 v3;
	v5 =	vtrunc.f32 v16;
	v20 =	vadd.f32 v24, v6;
	v3 =	vld.idx.msk [tilespmem:v15+s3+$0x0], $0xffff  }
0x13d: {  	vm0 =	vlt.s32 v11, $0x1FFF;
	v15 =	vcvt.f32.s32 v4;
	v6 =	vtrunc.f32 v17;
	v4 =	vld.idx.msk [tilespmem:v19+s3+$0x0], $0xffff  }
0x13e: {  	vm1 =	vlt.s32 v13, $0x1FFF;
	v19 =	vcvt.f32.s32 v5;
	v18 =	vtrunc.f32 v20;
	v5 =	vld.idx.msk [tilespmem:v21+s3+$0x0], $0xffff  }
0x13f: {  	s4 =	sadd.s32 $0x80, s4;
	vm2 =	vlt.s32 v14, $0x1FFF;
	v21 =	vcvt.f32.s32 v6;
	v18 =	vcvt.f32.s32 v18;
	v6 =	vld.idx.msk [tilespmem:v26+s3+$0x0], $0xffff  }
0x140: {  	v22 =	vmul.f32 v22, v0  }
0x141: {  	v9 =	vmul.f32 $1.220703130e-04, v9;
	s4 =	sadd.s32 $0x80, s28  }
0x142: {  	v8 =	vmul.f32 $1.220703130e-04, v8;
	[tilespmem:s4+$0x30] =	vst v22  }
0x143: {  	v10 =	vmul.f32 $1.220703130e-04, v10;
	[tilespmem:s24+$0xFFFFFFC0] =	vst v9  }
0x144: {  	v1 =	vmul.f32 v1, v0;
	[tilespmem:s24+$0xFFFFFFD0] =	vst v8  }
0x145: {  	v11 =	vnsel vm0, $0x1FFF, v11;
	v9 =	vmul.f32 $1.220703130e-04, v12;
	[tilespmem:s24+$0xFFFFFFE0] =	vst v10  }
0x146: {  	v8 =	vmul.f32 $1.220703130e-04, v16;
	v12 =	vnsel vm1, $0x1FFF, v13;
	[tilespmem:s25+$0xFFFFFFC0] =	vst v1  }
0x147: {  	vm0 =	vlt.s32 v15, $0x1FFF;
	v10 =	vmul.f32 $1.220703130e-04, v17;
	v13 =	vnsel vm2, $0x1FFF, v14;
	[tilespmem:s24+$0xFFFFFFF0] =	vst v9  }
0x148: {  	vm1 =	vlt.s32 v19, $0x1FFF;
	v9 =	vmul.f32 $1.220703130e-04, v20;
	[tilespmem:s24+$0x0] =	vst v8;
	v8 =	vnsel vm0, $0x1FFF, v15  }
0x149: {  	v2 =	vmul.f32 v2, v0;
	[tilespmem:s24+$0x10] =	vst v10;
	vm0 =	vlt.s32 v21, $0x1FFF;
	v10 =	vnsel vm1, $0x1FFF, v19  }
0x14a: {  	v7 =	vmul.f32 v7, v0;
	vm1 =	vlt.s32 v18, $0x1FFF;
	v1 =	vld.idx.msk [tilespmem:v11+s3+$0x0], $0xffff;
	[tilespmem:s24+$0x20] =	vst v9;
	v9 =	vnsel vm0, $0x1FFF, v21  }
0x14b: {  	[tilespmem:s25+$0xFFFFFFD0] =	vst v2;
	v2 =	vmul.f32 v3, v0;
	v11 =	vnsel vm1, $0x1FFF, v18;
	v3 =	vld.idx.msk [tilespmem:v12+s3+$0x0], $0xffff  }
0x14c: {  	[tilespmem:s25+$0xFFFFFFE0] =	vst v7;
	v4 =	vmul.f32 v4, v0;
	v7 =	vld.idx.msk [tilespmem:v13+s3+$0x0], $0xffff  }
0x14d: {  	[tilespmem:s25+$0xFFFFFFF0] =	vst v2;
	v2 =	vmul.f32 v5, v0;
	v5 =	vld.idx.msk [tilespmem:v8+s3+$0x0], $0xffff  }
0x14e: {  	[tilespmem:s25+$0x0] =	vst v4;
	v4 =	vmul.f32 v6, v0;
	v6 =	vld.idx.msk [tilespmem:v10+s3+$0x0], $0xffff  }
0x14f: {  	[tilespmem:s25+$0x10] =	vst v2;
	v1 =	vmul.f32 v1, v0;
	v2 =	vld.idx.msk [tilespmem:v9+s3+$0x0], $0xffff  }
0x150: {  	[tilespmem:s25+$0x20] =	vst v4;
	v4 =	vld.idx.msk [tilespmem:v11+s3+$0x0], $0xffff;
	v3 =	vmul.f32 v3, v0  }
0x151: {  	v7 =	vmul.f32 v7, v0;
	[tilespmem:s4+$0xFFFFFFC0] =	vst v1  }
0x152: {  	[tilespmem:s4+$0xFFFFFFD0] =	vst v3;
	v1 =	vmul.f32 v5, v0  }
0x153: {  	[tilespmem:s4+$0xFFFFFFE0] =	vst v7;
	v3 =	vmul.f32 v6, v0  }
0x154: {  	[tilespmem:s4+$0xFFFFFFF0] =	vst v1;
	v1 =	vmul.f32 v2, v0  }
0x155: {  	[tilespmem:s4+$0x0] =	vst v3;
	v2 =	vmul.f32 v4, v0  }
0x156: {  	[tilespmem:s4+$0x10] =	vst v1  }
0x157: {  	[tilespmem:s4+$0x20] =	vst v2  }
0x158: {  	[hbm4b:s12+s3] =	stream.linear.scatter [tilespmem:s31], [sflag:$0x5], $0x2000, $0x38;
	[tilespmem:$0x12000] =	vst v63  }
0x159: {  	_ = 	snop  }
0x15a: {  	[hbm4b:s13+s3] =	stream.linear.scatter [tilespmem:s0], [sflag:$0x5], $0x2000, $0x38;
	[tilespmem:$0x12000] =	vst v63  }
0x15b: {  	s25 =	simm.s32 $0x4000  }
0x15c: {  	[tilespmem:s25], [sflag:$0x3] =	stream.linear.gather [hbm4b:s14+s3], $0x2000, $0x38;
	[tilespmem:$0x12000] =	vst v63  }
0x15d: {  	s22 =	simm.s32 $0x8000  }
0x15e: {  	[tilespmem:s22], [sflag:$0x3] =	stream.linear.gather [hbm4b:s15+s3], $0x2000, $0x38;
	[tilespmem:$0x12000] =	vst v63  }
0x15f: {  	_ =	swait.ge [sflag:s26], $0x2000  }
0x160: {  	[sflag:s26] =	ssyncset.done $0x0  }
0x161: {  	[sflag:s26] =	ssyncadd.s32 $0xFFFFE000  }
0x162: {  	_ =	swait.ge [sflag:s26], $0x2000  }
0x163: {  	[sflag:s26] =	ssyncset.done $0x0  }
0x164: {  	[sflag:s26] =	ssyncadd.s32 $0xFFFFE000  }
0x165: {  	_ =	swait.ge [sflag:s2], $0x2000  }
0x166: {  	[sflag:s2] =	ssyncset.done $0x0  }
0x167: {  	[sflag:s2] =	ssyncadd.s32 $0xFFFFE000  }
0x168: {  	_ =	swait.ge [sflag:s2], $0x2000  }
0x169: {  	[sflag:s2] =	ssyncset.done $0x0  }
0x16a: {  	s24 =	simm.s32 $0x2040;
	[sflag:s2] =	ssyncadd.s32 $0xFFFFE000  }
0x16b: {  	v1 =	vld [tilespmem:s24+$0x30]  }
0x16c: {  	s22 =	simm.s32 $0x6040;
	v2 =	vld [tilespmem:s24+$0xFFFFFFD0]  }
0x16d: {  	v3 =	vld [tilespmem:s22+$0x30]  }
0x16e: {  	v4 =	vld [tilespmem:s24+$0xFFFFFFE0]  }
0x16f: {  	v5 =	vld [tilespmem:s24+$0xFFFFFFF0]  }
0x170: {  	v6 =	vld [tilespmem:s24+$0x0]  }
0x171: {  	v7 =	vld [tilespmem:s24+$0x10]  }
0x172: {  	v8 =	vld [tilespmem:s24+$0x20]  }
0x173: {  	v11 =	vld [tilespmem:s22+$0xFFFFFFD0]  }
0x174: {  	v12 =	vld [tilespmem:s22+$0xFFFFFFE0]  }
0x175: {  	s25 =	simm.s32 $0x20C0;
	v13 =	vld [tilespmem:s22+$0xFFFFFFF0]  }
0x176: {  	v20 =	vld [tilespmem:s25+$0xFFFFFFF0]  }
0x177: {  	v14 =	vld [tilespmem:s22+$0x0];
	v1 =	vcvt.s32.f32 v1  }
0x178: {  	v15 =	vld [tilespmem:s22+$0x10];
	v2 =	vcvt.s32.f32 v2;
	v4 =	vcvt.s32.f32 v4  }
0x179: {  	v5 =	vcvt.s32.f32 v5;
	v6 =	vcvt.s32.f32 v6  }
0x17a: {  	v7 =	vcvt.s32.f32 v7;
	v8 =	vcvt.s32.f32 v8;
	v1 =	vadd.f32 v1, v3  }
0x17b: {  	v20 =	vcvt.s32.f32 v20;
	v3 =	vld [tilespmem:s24+$0xFFFFFFC0];
	v2 =	vadd.f32 v2, v11;
	v4 =	vadd.f32 v4, v12  }
0x17c: {  	v5 =	vadd.f32 v5, v13;
	v6 =	vadd.f32 v6, v14;
	v10 =	vtrunc.f32 v1  }
0x17d: {  	v9 =	vld [tilespmem:s22+$0xFFFFFFC0];
	v7 =	vadd.f32 v7, v15;
	v1 =	vmul.f32 $1.220703130e-04, v1;
	v12 =	vtrunc.f32 v2  }
0x17e: {  	v13 =	vtrunc.f32 v5;
	v10 =	vcvt.f32.s32 v10  }
0x17f: {  	v14 =	vld [tilespmem:s25+$0x30];
	v15 =	vtrunc.f32 v6;
	v16 =	vtrunc.f32 v7  }
0x180: {  	v2 =	vmul.f32 $1.220703130e-04, v2;
	vm0 =	vlt.s32 v10, $0x1FFF;
	v3 =	vcvt.s32.f32 v3  }
0x181: {  	v19 =	vld [tilespmem:s25+$0xFFFFFFE0];
	v5 =	vmul.f32 $1.220703130e-04, v5;
	v12 =	vcvt.f32.s32 v12;
	v10 =	vnsel vm0, $0x1FFF, v10  }
0x182: {  	v6 =	vmul.f32 $1.220703130e-04, v6;
	v15 =	vcvt.f32.s32 v15;
	v3 =	vadd.f32 v3, v9;
	v9 =	vld [tilespmem:s22+$0x20]  }
0x183: {  	v22 =	vld [tilespmem:s25+$0xFFFFFFC0];
	v24 =	vmul.f32 $1.220703130e-04, v7;
	v16 =	vcvt.f32.s32 v16;
	vm1 =	vlt.s32 v12, $0x1FFF;
	s22 =	simm.s32 $0x60C0  }
0x184: {  	s4 =	simm.s32 $0xA040;
	v14 =	vcvt.s32.f32 v14;
	vm4 =	vlt.s32 v15, $0x1FFF;
	v17 =	vld [tilespmem:s22+$0x30];
	v11 =	vtrunc.f32 v3  }
0x185: {  	v23 =	vld [tilespmem:s25+$0x10];
	[tilespmem:s4+$0x30] =	vst v1;
	vm5 =	vlt.s32 v16, $0x1FFF;
	v1 =	vcvt.f32.s32 v11;
	v11 =	vtrunc.f32 v4  }
0x186: {  	v29 =	vnsel vm4, $0x1FFF, v15;
	v30 =	vnsel vm5, $0x1FFF, v16;
	v10 =	vld.idx.msk [tilespmem:v10+s3+$0x0], $0xffff;
	v11 =	vcvt.f32.s32 v11  }
0x187: {  	v16 =	vcvt.s32.f32 v19;
	v7 =	vld [tilespmem:s22+$0xFFFFFFC0];
	v3 =	vmul.f32 $1.220703130e-04, v3;
	v8 =	vadd.f32 v8, v9  }
0x188: {  	v9 =	vcvt.f32.s32 v13;
	v13 =	vld [tilespmem:s25+$0xFFFFFFD0];
	vm0 =	vlt.s32 v1, $0x1FFF;
	vm2 =	vlt.s32 v11, $0x1FFF  }
0x189: {  	v25 =	vld [tilespmem:s22+$0xFFFFFFD0];
	v14 =	vadd.f32 v14, v17;
	v1 =	vnsel vm0, $0x1FFF, v1;
	v17 =	vnsel vm1, $0x1FFF, v12  }
0x18a: {  	v15 =	vld [tilespmem:s22+$0xFFFFFFF0];
	v18 =	vtrunc.f32 v8;
	vm3 =	vlt.s32 v9, $0x1FFF;
	v26 =	vmul.f32 $1.220703130e-04, v8  }
0x18b: {  	v27 =	vnsel vm2, $0x1FFF, v11;
	v12 =	vtrunc.f32 v14;
	v21 =	vmul.f32 v10, v0;
	v10 =	vld [tilespmem:s25+$0x0]  }
0x18c: {  	v11 =	vld [tilespmem:s22+$0xFFFFFFE0];
	v28 =	vnsel vm3, $0x1FFF, v9;
	v9 =	vcvt.s32.f32 v22;
	v8 =	vcvt.f32.s32 v12  }
0x18d: {  	v18 =	vcvt.f32.s32 v18;
	v12 =	vld [tilespmem:s25+$0x20];
	v13 =	vcvt.s32.f32 v13  }
0x18e: {  	v4 =	vmul.f32 $1.220703130e-04, v4;
	v9 =	vadd.f32 v9, v7;
	v7 =	vld [tilespmem:s22+$0x0];
	vm0 =	vlt.s32 v8, $0x1FFF  }
0x18f: {  	v63 =	vld [tilespmem:s22+$0x10];
	v19 =	vnsel vm0, $0x1FFF, v8;
	vm0 =	vlt.s32 v18, $0x1FFF;
	v8 =	vadd.f32 v13, v25  }
0x190: {  	v31 =	vld [tilespmem:s22+$0x20];
	[tilespmem:s4+$0xFFFFFFC0] =	vst v3;
	v13 =	vtrunc.f32 v9;
	v32 =	vnsel vm0, $0x1FFF, v18;
	v3 =	vcvt.s32.f32 v10  }
0x191: {  	[tilespmem:s4+$0xFFFFFFD0] =	vst v2;
	v1 =	vld.idx.msk [tilespmem:v1+s3+$0x0], $0xffff;
	v10 =	vadd.f32 v16, v11;
	v11 =	vmul.f32 $1.220703130e-04, v14;
	v14 =	vcvt.s32.f32 v23  }
0x192: {  	s24 =	simm.s32 $0xA0C0;
	[tilespmem:s4+$0xFFFFFFE0] =	vst v4;
	v2 =	vld.idx.msk [tilespmem:v17+s3+$0x0], $0xffff;
	v18 =	vcvt.s32.f32 v12;
	v12 =	vadd.f32 v20, v15;
	v15 =	vtrunc.f32 v8  }
0x193: {  	[tilespmem:s24+$0x30] =	vst v11;
	v11 =	vcvt.f32.s32 v13;
	v16 =	vadd.f32 v3, v7;
	v3 =	vtrunc.f32 v10;
	v7 =	vld.idx.msk [tilespmem:v27+s3+$0x0], $0xffff  }
0x194: {  	[tilespmem:s4+$0xFFFFFFF0] =	vst v5;
	v13 =	vcvt.f32.s32 v15;
	v17 =	vadd.f32 v14, v63;
	v4 =	vtrunc.f32 v12;
	v22 =	vld.idx.msk [tilespmem:v19+s3+$0x0], $0xffff  }
0x195: {  	[tilespmem:s4+$0x0] =	vst v6;
	v20 =	vadd.f32 v18, v31;
	v14 =	vcvt.f32.s32 v3;
	v3 =	vld.idx.msk [tilespmem:v28+s3+$0x0], $0xffff;
	v15 =	vcvt.f32.s32 v4  }
0x196: {  	[tilespmem:s4+$0x10] =	vst v24;
	v4 =	vld.idx.msk [tilespmem:v29+s3+$0x0], $0xffff;
	v5 =	vtrunc.f32 v16;
	vm0 =	vlt.s32 v11, $0x1FFF;
	v6 =	vtrunc.f32 v17  }
0x197: {  	s28 =	simm.s32 $0xE040;
	[tilespmem:s4+$0x20] =	vst v26;
	vm1 =	vlt.s32 v13, $0x1FFF;
	v18 =	vtrunc.f32 v20;
	v19 =	vcvt.f32.s32 v5;
	v5 =	vld.idx.msk [tilespmem:v30+s3+$0x0], $0xffff  }
0x198: {  	s29 =	simm.s32 $0x80;
	s4 =	simm.s32 $0x2140;
	s25 =	simm.s32 $0xE040;
	[tilespmem:s28+$0x30] =	vst v21;
	vm2 =	vlt.s32 v14, $0x1FFF;
	v21 =	vcvt.f32.s32 v6;
	v18 =	vcvt.f32.s32 v18;
	v6 =	vld.idx.msk [tilespmem:v32+s3+$0x0], $0xffff  }
.LBB2_10:
0x199: {  	v23 =	vld [tilespmem:s4+$0x30];
	s29 =	sadd.s32 $0x80, s29;
	v9 =	vmul.f32 $1.220703130e-04, v9;
	vm3 =	vlt.s32 v15, $0x1FFF;
	v22 =	vmul.f32 v22, v0  }
0x19a: {  	v8 =	vmul.f32 $1.220703130e-04, v8;
	v10 =	vmul.f32 $1.220703130e-04, v10;
	vm4 =	vlt.s32 v19, $0x1FFF;
	s22 =	sadd.s32 $0x80, s22;
	s28 =	sadd.s32 $0x80, s28;
	v24 =	vld [tilespmem:s4+$0xFFFFFFD0];
	p0 =	slt.u32 s29, $0x1F80  }
0x19b: {  	v12 =	vmul.f32 $1.220703130e-04, v12;
	v16 =	vmul.f32 $1.220703130e-04, v16;
	vm5 =	vlt.s32 v21, $0x1FFF;
	v25 =	vld [tilespmem:s22+$0x30];
	[tilespmem:s28+$0x30] =	vst v22  }
0x19c: {  	vm6 =	vlt.s32 v18, $0x1FFF;
	v22 =	vld [tilespmem:s4+$0xFFFFFFE0];
	[tilespmem:s24+$0xFFFFFFC0] =	vst v9;
	v9 =	vmul.f32 $1.220703130e-04, v17;
	v17 =	vmul.f32 $1.220703130e-04, v20  }
0x19d: {  	v11 =	vnsel vm0, $0x1FFF, v11;
	v13 =	vnsel vm1, $0x1FFF, v13;
	v14 =	vnsel vm2, $0x1FFF, v14;
	v20 =	vld [tilespmem:s4+$0xFFFFFFF0];
	[tilespmem:s24+$0xFFFFFFD0] =	vst v8  }
0x19e: {  	v15 =	vnsel vm3, $0x1FFF, v15;
	v19 =	vnsel vm4, $0x1FFF, v19;
	v8 =	vld [tilespmem:s4+$0x0];
	v23 =	vcvt.s32.f32 v23;
	[tilespmem:s24+$0xFFFFFFE0] =	vst v10  }
0x19f: {  	v21 =	vnsel vm5, $0x1FFF, v21;
	v26 =	vnsel vm6, $0x1FFF, v18;
	v10 =	vcvt.s32.f32 v24;
	v24 =	vld [tilespmem:s4+$0x10];
	[tilespmem:s24+$0xFFFFFFF0] =	vst v12  }
0x1a0: {  	v1 =	vmul.f32 v1, v0;
	v2 =	vmul.f32 v2, v0;
	v12 =	vld [tilespmem:s4+$0x20];
	v18 =	vadd.f32 v23, v25;
	[tilespmem:s24+$0x0] =	vst v16  }
0x1a1: {  	v7 =	vmul.f32 v7, v0;
	v16 =	vld [tilespmem:s4+$0xFFFFFFC0];
	v22 =	vcvt.s32.f32 v22;
	[tilespmem:s24+$0x10] =	vst v9  }
0x1a2: {  	v9 =	vld [tilespmem:s22+$0xFFFFFFC0];
	v20 =	vcvt.s32.f32 v20;
	v23 =	vtrunc.f32 v18;
	[tilespmem:s24+$0x20] =	vst v17  }
0x1a3: {  	v17 =	vld [tilespmem:s22+$0xFFFFFFD0];
	v25 =	vcvt.s32.f32 v8;
	v8 =	vcvt.f32.s32 v23;
	[tilespmem:s25+$0xFFFFFFC0] =	vst v1  }
0x1a4: {  	v1 =	vld [tilespmem:s22+$0xFFFFFFE0];
	v23 =	vcvt.s32.f32 v24;
	[tilespmem:s25+$0xFFFFFFD0] =	vst v2;
	v2 =	vmul.f32 v3, v0  }
0x1a5: {  	v4 =	vmul.f32 v4, v0;
	v3 =	vld [tilespmem:s22+$0xFFFFFFF0];
	v24 =	vcvt.s32.f32 v12;
	vm0 =	vlt.s32 v8, $0x1FFF;
	[tilespmem:s25+$0xFFFFFFE0] =	vst v7  }
0x1a6: {  	v7 =	vcvt.s32.f32 v16;
	v16 =	vld [tilespmem:s22+$0x0];
	v27 =	vnsel vm0, $0x1FFF, v8;
	[tilespmem:s25+$0xFFFFFFF0] =	vst v2;
	v2 =	vmul.f32 v5, v0  }
0x1a7: {  	v5 =	vld [tilespmem:s22+$0x10];
	[tilespmem:s25+$0x0] =	vst v4;
	v4 =	vmul.f32 v6, v0  }
0x1a8: {  	v9 =	vadd.f32 v7, v9;
	v8 =	vadd.f32 v10, v17;
	v6 =	vld [tilespmem:s22+$0x20];
	v7 =	vmul.f32 $1.220703130e-04, v18;
	[tilespmem:s25+$0x10] =	vst v2  }
0x1a9: {  	s24 =	sadd.s32 $0x80, s24;
	v10 =	vadd.f32 v22, v1;
	v1 =	vld.idx.msk [tilespmem:v11+s3+$0x0], $0xffff;
	[tilespmem:s25+$0x20] =	vst v4;
	s25 =	smov.u32 s28  }
0x1aa: {  	v4 =	vtrunc.f32 v9;
	v17 =	vtrunc.f32 v8;
	v12 =	vadd.f32 v20, v3;
	[tilespmem:s24+$0x30] =	vst v7;
	v2 =	vld.idx.msk [tilespmem:v13+s3+$0x0], $0xffff  }
0x1ab: {  	v11 =	vcvt.f32.s32 v4;
	v3 =	vtrunc.f32 v10;
	v16 =	vadd.f32 v25, v16;
	v22 =	vld.idx.msk [tilespmem:v27+s3+$0x0], $0xffff  }
.Ltmp4:
0x1ac: {  	v13 =	vcvt.f32.s32 v17;
	v4 =	vtrunc.f32 v12;
	v17 =	vadd.f32 v23, v5;
	v7 =	vld.idx.msk [tilespmem:v14+s3+$0x0], $0xffff;
	(pc) =	sbr.rel @p0 .LBB2_10-.Ltmp4, $4  }
0x1ad: {  	v14 =	vcvt.f32.s32 v3;
	v5 =	vtrunc.f32 v16;
	v20 =	vadd.f32 v24, v6;
	v3 =	vld.idx.msk [tilespmem:v15+s3+$0x0], $0xffff  }
0x1ae: {  	vm0 =	vlt.s32 v11, $0x1FFF;
	v15 =	vcvt.f32.s32 v4;
	v6 =	vtrunc.f32 v17;
	v4 =	vld.idx.msk [tilespmem:v19+s3+$0x0], $0xffff  }
0x1af: {  	vm1 =	vlt.s32 v13, $0x1FFF;
	v19 =	vcvt.f32.s32 v5;
	v18 =	vtrunc.f32 v20;
	v5 =	vld.idx.msk [tilespmem:v21+s3+$0x0], $0xffff  }
0x1b0: {  	s4 =	sadd.s32 $0x80, s4;
	vm2 =	vlt.s32 v14, $0x1FFF;
	v21 =	vcvt.f32.s32 v6;
	v18 =	vcvt.f32.s32 v18;
	v6 =	vld.idx.msk [tilespmem:v26+s3+$0x0], $0xffff  }
0x1b1: {  	v22 =	vmul.f32 v22, v0  }
0x1b2: {  	v9 =	vmul.f32 $1.220703130e-04, v9;
	s4 =	sadd.s32 $0x80, s28  }
0x1b3: {  	v8 =	vmul.f32 $1.220703130e-04, v8;
	[tilespmem:s4+$0x30] =	vst v22  }
0x1b4: {  	v10 =	vmul.f32 $1.220703130e-04, v10;
	[tilespmem:s24+$0xFFFFFFC0] =	vst v9  }
0x1b5: {  	v1 =	vmul.f32 v1, v0;
	[tilespmem:s24+$0xFFFFFFD0] =	vst v8  }
0x1b6: {  	v11 =	vnsel vm0, $0x1FFF, v11;
	v9 =	vmul.f32 $1.220703130e-04, v12;
	[tilespmem:s24+$0xFFFFFFE0] =	vst v10  }
0x1b7: {  	v8 =	vmul.f32 $1.220703130e-04, v16;
	v12 =	vnsel vm1, $0x1FFF, v13;
	[tilespmem:s25+$0xFFFFFFC0] =	vst v1  }
0x1b8: {  	vm0 =	vlt.s32 v15, $0x1FFF;
	v10 =	vmul.f32 $1.220703130e-04, v17;
	v13 =	vnsel vm2, $0x1FFF, v14;
	[tilespmem:s24+$0xFFFFFFF0] =	vst v9  }
0x1b9: {  	vm1 =	vlt.s32 v19, $0x1FFF;
	v9 =	vmul.f32 $1.220703130e-04, v20;
	[tilespmem:s24+$0x0] =	vst v8;
	v8 =	vnsel vm0, $0x1FFF, v15  }
0x1ba: {  	v2 =	vmul.f32 v2, v0;
	[tilespmem:s24+$0x10] =	vst v10;
	vm0 =	vlt.s32 v21, $0x1FFF;
	v10 =	vnsel vm1, $0x1FFF, v19  }
0x1bb: {  	v7 =	vmul.f32 v7, v0;
	vm1 =	vlt.s32 v18, $0x1FFF;
	v1 =	vld.idx.msk [tilespmem:v11+s3+$0x0], $0xffff;
	[tilespmem:s24+$0x20] =	vst v9;
	v9 =	vnsel vm0, $0x1FFF, v21  }
0x1bc: {  	[tilespmem:s25+$0xFFFFFFD0] =	vst v2;
	v2 =	vmul.f32 v3, v0;
	v11 =	vnsel vm1, $0x1FFF, v18;
	v3 =	vld.idx.msk [tilespmem:v12+s3+$0x0], $0xffff  }
0x1bd: {  	[tilespmem:s25+$0xFFFFFFE0] =	vst v7;
	v4 =	vmul.f32 v4, v0;
	v7 =	vld.idx.msk [tilespmem:v13+s3+$0x0], $0xffff  }
0x1be: {  	[tilespmem:s25+$0xFFFFFFF0] =	vst v2;
	v2 =	vmul.f32 v5, v0;
	v5 =	vld.idx.msk [tilespmem:v8+s3+$0x0], $0xffff  }
0x1bf: {  	[tilespmem:s25+$0x0] =	vst v4;
	v4 =	vmul.f32 v6, v0;
	v6 =	vld.idx.msk [tilespmem:v10+s3+$0x0], $0xffff  }
0x1c0: {  	[tilespmem:s25+$0x10] =	vst v2;
	v1 =	vmul.f32 v1, v0;
	v2 =	vld.idx.msk [tilespmem:v9+s3+$0x0], $0xffff  }
0x1c1: {  	[tilespmem:s25+$0x20] =	vst v4;
	v4 =	vld.idx.msk [tilespmem:v11+s3+$0x0], $0xffff;
	v3 =	vmul.f32 v3, v0  }
0x1c2: {  	v7 =	vmul.f32 v7, v0;
	[tilespmem:s4+$0xFFFFFFC0] =	vst v1  }
0x1c3: {  	[tilespmem:s4+$0xFFFFFFD0] =	vst v3;
	v1 =	vmul.f32 v5, v0  }
0x1c4: {  	[tilespmem:s4+$0xFFFFFFE0] =	vst v7;
	v3 =	vmul.f32 v6, v0  }
0x1c5: {  	[tilespmem:s4+$0xFFFFFFF0] =	vst v1;
	v1 =	vmul.f32 v2, v0  }
0x1c6: {  	[tilespmem:s4+$0x0] =	vst v3;
	v2 =	vmul.f32 v4, v0  }
0x1c7: {  	[tilespmem:s4+$0x10] =	vst v1  }
0x1c8: {  	s25 =	simm.s32 $0xA000;
	[tilespmem:s4+$0x20] =	vst v2  }
0x1c9: {  	[hbm4b:s16+s3] =	stream.linear.scatter [tilespmem:s25], [sflag:$0x4], $0x2000, $0x38;
	[tilespmem:$0x12000] =	vst v63  }
0x1ca: {  	s22 =	simm.s32 $0xE000  }
0x1cb: {  	[hbm4b:s17+s3] =	stream.linear.scatter [tilespmem:s22], [sflag:$0x4], $0x2000, $0x38;
	[tilespmem:$0x12000] =	vst v63  }
0x1cc: {  	_ =	swait.ge [sflag:s30], $0x2000  }
0x1cd: {  	[sflag:s30] =	ssyncset.done $0x0  }
0x1ce: {  	[sflag:s30] =	ssyncadd.s32 $0xFFFFE000  }
0x1cf: {  	_ =	swait.ge [sflag:s30], $0x2000  }
0x1d0: {  	[sflag:s30] =	ssyncset.done $0x0  }
0x1d1: {  	[sflag:s30] =	ssyncadd.s32 $0xFFFFE000  }
0x1d2: {  	_ =	swait.ge [sflag:s1], $0x2000  }
0x1d3: {  	[sflag:s1] =	ssyncset.done $0x0  }
0x1d4: {  	[sflag:s1] =	ssyncadd.s32 $0xFFFFE000  }
0x1d5: {  	_ =	swait.ge [sflag:s1], $0x2000  }
0x1d6: {  	[sflag:s1] =	ssyncset.done $0x0  }
0x1d7: {  	s24 =	simm.s32 $0x4040;
	[sflag:s1] =	ssyncadd.s32 $0xFFFFE000  }
0x1d8: {  	v1 =	vld [tilespmem:s24+$0x30]  }
0x1d9: {  	s22 =	simm.s32 $0x8040;
	v2 =	vld [tilespmem:s24+$0xFFFFFFD0]  }
0x1da: {  	v3 =	vld [tilespmem:s22+$0x30]  }
0x1db: {  	v4 =	vld [tilespmem:s24+$0xFFFFFFE0]  }
0x1dc: {  	v5 =	vld [tilespmem:s24+$0xFFFFFFF0]  }
0x1dd: {  	v6 =	vld [tilespmem:s24+$0x0]  }
0x1de: {  	v7 =	vld [tilespmem:s24+$0x10]  }
0x1df: {  	v8 =	vld [tilespmem:s24+$0x20]  }
0x1e0: {  	v11 =	vld [tilespmem:s22+$0xFFFFFFD0]  }
0x1e1: {  	v12 =	vld [tilespmem:s22+$0xFFFFFFE0]  }
0x1e2: {  	s25 =	simm.s32 $0x40C0;
	v13 =	vld [tilespmem:s22+$0xFFFFFFF0]  }
0x1e3: {  	v20 =	vld [tilespmem:s25+$0xFFFFFFF0]  }
0x1e4: {  	v14 =	vld [tilespmem:s22+$0x0];
	v1 =	vcvt.s32.f32 v1  }
0x1e5: {  	v15 =	vld [tilespmem:s22+$0x10];
	v2 =	vcvt.s32.f32 v2;
	v4 =	vcvt.s32.f32 v4  }
0x1e6: {  	v5 =	vcvt.s32.f32 v5;
	v6 =	vcvt.s32.f32 v6  }
0x1e7: {  	v7 =	vcvt.s32.f32 v7;
	v8 =	vcvt.s32.f32 v8;
	v1 =	vadd.f32 v1, v3  }
0x1e8: {  	v20 =	vcvt.s32.f32 v20;
	v3 =	vld [tilespmem:s24+$0xFFFFFFC0];
	v2 =	vadd.f32 v2, v11;
	v4 =	vadd.f32 v4, v12  }
0x1e9: {  	v5 =	vadd.f32 v5, v13;
	v6 =	vadd.f32 v6, v14;
	v10 =	vtrunc.f32 v1  }
0x1ea: {  	v9 =	vld [tilespmem:s22+$0xFFFFFFC0];
	v7 =	vadd.f32 v7, v15;
	v1 =	vmul.f32 $1.220703130e-04, v1;
	v12 =	vtrunc.f32 v2  }
0x1eb: {  	v13 =	vtrunc.f32 v5;
	v10 =	vcvt.f32.s32 v10  }
0x1ec: {  	v14 =	vld [tilespmem:s25+$0x30];
	v15 =	vtrunc.f32 v6;
	v16 =	vtrunc.f32 v7  }
0x1ed: {  	v2 =	vmul.f32 $1.220703130e-04, v2;
	vm0 =	vlt.s32 v10, $0x1FFF;
	v3 =	vcvt.s32.f32 v3  }
0x1ee: {  	v19 =	vld [tilespmem:s25+$0xFFFFFFE0];
	v5 =	vmul.f32 $1.220703130e-04, v5;
	v12 =	vcvt.f32.s32 v12;
	v10 =	vnsel vm0, $0x1FFF, v10  }
0x1ef: {  	v6 =	vmul.f32 $1.220703130e-04, v6;
	v15 =	vcvt.f32.s32 v15;
	v3 =	vadd.f32 v3, v9;
	v9 =	vld [tilespmem:s22+$0x20]  }
0x1f0: {  	v22 =	vld [tilespmem:s25+$0xFFFFFFC0];
	v24 =	vmul.f32 $1.220703130e-04, v7;
	v16 =	vcvt.f32.s32 v16;
	vm1 =	vlt.s32 v12, $0x1FFF;
	s22 =	simm.s32 $0x80C0  }
0x1f1: {  	s4 =	simm.s32 $0xC040;
	v14 =	vcvt.s32.f32 v14;
	vm4 =	vlt.s32 v15, $0x1FFF;
	v17 =	vld [tilespmem:s22+$0x30];
	v11 =	vtrunc.f32 v3  }
0x1f2: {  	v23 =	vld [tilespmem:s25+$0x10];
	[tilespmem:s4+$0x30] =	vst v1;
	vm5 =	vlt.s32 v16, $0x1FFF;
	v1 =	vcvt.f32.s32 v11;
	v11 =	vtrunc.f32 v4  }
0x1f3: {  	v29 =	vnsel vm4, $0x1FFF, v15;
	v30 =	vnsel vm5, $0x1FFF, v16;
	v10 =	vld.idx.msk [tilespmem:v10+s3+$0x0], $0xffff;
	v11 =	vcvt.f32.s32 v11  }
0x1f4: {  	v16 =	vcvt.s32.f32 v19;
	v7 =	vld [tilespmem:s22+$0xFFFFFFC0];
	v3 =	vmul.f32 $1.220703130e-04, v3;
	v8 =	vadd.f32 v8, v9  }
0x1f5: {  	v9 =	vcvt.f32.s32 v13;
	v13 =	vld [tilespmem:s25+$0xFFFFFFD0];
	vm0 =	vlt.s32 v1, $0x1FFF;
	vm2 =	vlt.s32 v11, $0x1FFF  }
0x1f6: {  	v25 =	vld [tilespmem:s22+$0xFFFFFFD0];
	v14 =	vadd.f32 v14, v17;
	v1 =	vnsel vm0, $0x1FFF, v1;
	v17 =	vnsel vm1, $0x1FFF, v12  }
0x1f7: {  	v15 =	vld [tilespmem:s22+$0xFFFFFFF0];
	v18 =	vtrunc.f32 v8;
	vm3 =	vlt.s32 v9, $0x1FFF;
	v26 =	vmul.f32 $1.220703130e-04, v8  }
0x1f8: {  	v27 =	vnsel vm2, $0x1FFF, v11;
	v12 =	vtrunc.f32 v14;
	v21 =	vmul.f32 v10, v0;
	v10 =	vld [tilespmem:s25+$0x0]  }
0x1f9: {  	v11 =	vld [tilespmem:s22+$0xFFFFFFE0];
	v28 =	vnsel vm3, $0x1FFF, v9;
	v9 =	vcvt.s32.f32 v22;
	v8 =	vcvt.f32.s32 v12  }
0x1fa: {  	v18 =	vcvt.f32.s32 v18;
	v12 =	vld [tilespmem:s25+$0x20];
	v13 =	vcvt.s32.f32 v13  }
0x1fb: {  	v4 =	vmul.f32 $1.220703130e-04, v4;
	v9 =	vadd.f32 v9, v7;
	v7 =	vld [tilespmem:s22+$0x0];
	vm0 =	vlt.s32 v8, $0x1FFF  }
0x1fc: {  	v63 =	vld [tilespmem:s22+$0x10];
	v19 =	vnsel vm0, $0x1FFF, v8;
	vm0 =	vlt.s32 v18, $0x1FFF;
	v8 =	vadd.f32 v13, v25  }
0x1fd: {  	v31 =	vld [tilespmem:s22+$0x20];
	[tilespmem:s4+$0xFFFFFFC0] =	vst v3;
	v13 =	vtrunc.f32 v9;
	v32 =	vnsel vm0, $0x1FFF, v18;
	v3 =	vcvt.s32.f32 v10  }
0x1fe: {  	[tilespmem:s4+$0xFFFFFFD0] =	vst v2;
	v1 =	vld.idx.msk [tilespmem:v1+s3+$0x0], $0xffff;
	v10 =	vadd.f32 v16, v11;
	v11 =	vmul.f32 $1.220703130e-04, v14;
	v14 =	vcvt.s32.f32 v23  }
0x1ff: {  	s24 =	simm.s32 $0xC0C0;
	[tilespmem:s4+$0xFFFFFFE0] =	vst v4;
	v2 =	vld.idx.msk [tilespmem:v17+s3+$0x0], $0xffff;
	v18 =	vcvt.s32.f32 v12;
	v12 =	vadd.f32 v20, v15;
	v15 =	vtrunc.f32 v8  }
0x200: {  	[tilespmem:s24+$0x30] =	vst v11;
	v11 =	vcvt.f32.s32 v13;
	v16 =	vadd.f32 v3, v7;
	v3 =	vtrunc.f32 v10;
	v7 =	vld.idx.msk [tilespmem:v27+s3+$0x0], $0xffff  }
0x201: {  	[tilespmem:s4+$0xFFFFFFF0] =	vst v5;
	v13 =	vcvt.f32.s32 v15;
	v17 =	vadd.f32 v14, v63;
	v4 =	vtrunc.f32 v12;
	v22 =	vld.idx.msk [tilespmem:v19+s3+$0x0], $0xffff  }
0x202: {  	[tilespmem:s4+$0x0] =	vst v6;
	v20 =	vadd.f32 v18, v31;
	v14 =	vcvt.f32.s32 v3;
	v3 =	vld.idx.msk [tilespmem:v28+s3+$0x0], $0xffff;
	v15 =	vcvt.f32.s32 v4  }
0x203: {  	[tilespmem:s4+$0x10] =	vst v24;
	v4 =	vld.idx.msk [tilespmem:v29+s3+$0x0], $0xffff;
	v5 =	vtrunc.f32 v16;
	vm0 =	vlt.s32 v11, $0x1FFF;
	v6 =	vtrunc.f32 v17  }
0x204: {  	s28 =	simm.s32 $0x10040;
	[tilespmem:s4+$0x20] =	vst v26;
	vm1 =	vlt.s32 v13, $0x1FFF;
	v18 =	vtrunc.f32 v20;
	v19 =	vcvt.f32.s32 v5;
	v5 =	vld.idx.msk [tilespmem:v30+s3+$0x0], $0xffff  }
0x205: {  	s29 =	simm.s32 $0x80;
	s4 =	simm.s32 $0x4140;
	s25 =	simm.s32 $0x10040;
	[tilespmem:s28+$0x30] =	vst v21;
	vm2 =	vlt.s32 v14, $0x1FFF;
	v21 =	vcvt.f32.s32 v6;
	v18 =	vcvt.f32.s32 v18;
	v6 =	vld.idx.msk [tilespmem:v32+s3+$0x0], $0xffff  }
.LBB2_12:
0x206: {  	v23 =	vld [tilespmem:s4+$0x30];
	s29 =	sadd.s32 $0x80, s29;
	v9 =	vmul.f32 $1.220703130e-04, v9;
	vm3 =	vlt.s32 v15, $0x1FFF;
	v22 =	vmul.f32 v22, v0  }
0x207: {  	v8 =	vmul.f32 $1.220703130e-04, v8;
	v10 =	vmul.f32 $1.220703130e-04, v10;
	vm4 =	vlt.s32 v19, $0x1FFF;
	s22 =	sadd.s32 $0x80, s22;
	s28 =	sadd.s32 $0x80, s28;
	v24 =	vld [tilespmem:s4+$0xFFFFFFD0];
	p0 =	slt.u32 s29, $0x1F80  }
0x208: {  	v12 =	vmul.f32 $1.220703130e-04, v12;
	v16 =	vmul.f32 $1.220703130e-04, v16;
	vm5 =	vlt.s32 v21, $0x1FFF;
	v25 =	vld [tilespmem:s22+$0x30];
	[tilespmem:s28+$0x30] =	vst v22  }
0x209: {  	vm6 =	vlt.s32 v18, $0x1FFF;
	v22 =	vld [tilespmem:s4+$0xFFFFFFE0];
	[tilespmem:s24+$0xFFFFFFC0] =	vst v9;
	v9 =	vmul.f32 $1.220703130e-04, v17;
	v17 =	vmul.f32 $1.220703130e-04, v20  }
0x20a: {  	v11 =	vnsel vm0, $0x1FFF, v11;
	v13 =	vnsel vm1, $0x1FFF, v13;
	v14 =	vnsel vm2, $0x1FFF, v14;
	v20 =	vld [tilespmem:s4+$0xFFFFFFF0];
	[tilespmem:s24+$0xFFFFFFD0] =	vst v8  }
0x20b: {  	v15 =	vnsel vm3, $0x1FFF, v15;
	v19 =	vnsel vm4, $0x1FFF, v19;
	v8 =	vld [tilespmem:s4+$0x0];
	v23 =	vcvt.s32.f32 v23;
	[tilespmem:s24+$0xFFFFFFE0] =	vst v10  }
0x20c: {  	v21 =	vnsel vm5, $0x1FFF, v21;
	v26 =	vnsel vm6, $0x1FFF, v18;
	v10 =	vcvt.s32.f32 v24;
	v24 =	vld [tilespmem:s4+$0x10];
	[tilespmem:s24+$0xFFFFFFF0] =	vst v12  }
0x20d: {  	v1 =	vmul.f32 v1, v0;
	v2 =	vmul.f32 v2, v0;
	v12 =	vld [tilespmem:s4+$0x20];
	v18 =	vadd.f32 v23, v25;
	[tilespmem:s24+$0x0] =	vst v16  }
0x20e: {  	v7 =	vmul.f32 v7, v0;
	v16 =	vld [tilespmem:s4+$0xFFFFFFC0];
	v22 =	vcvt.s32.f32 v22;
	[tilespmem:s24+$0x10] =	vst v9  }
0x20f: {  	v9 =	vld [tilespmem:s22+$0xFFFFFFC0];
	v20 =	vcvt.s32.f32 v20;
	v23 =	vtrunc.f32 v18;
	[tilespmem:s24+$0x20] =	vst v17  }
0x210: {  	v17 =	vld [tilespmem:s22+$0xFFFFFFD0];
	v25 =	vcvt.s32.f32 v8;
	v8 =	vcvt.f32.s32 v23;
	[tilespmem:s25+$0xFFFFFFC0] =	vst v1  }
0x211: {  	v1 =	vld [tilespmem:s22+$0xFFFFFFE0];
	v23 =	vcvt.s32.f32 v24;
	[tilespmem:s25+$0xFFFFFFD0] =	vst v2;
	v2 =	vmul.f32 v3, v0  }
0x212: {  	v4 =	vmul.f32 v4, v0;
	v3 =	vld [tilespmem:s22+$0xFFFFFFF0];
	v24 =	vcvt.s32.f32 v12;
	vm0 =	vlt.s32 v8, $0x1FFF;
	[tilespmem:s25+$0xFFFFFFE0] =	vst v7  }
0x213: {  	v7 =	vcvt.s32.f32 v16;
	v16 =	vld [tilespmem:s22+$0x0];
	v27 =	vnsel vm0, $0x1FFF, v8;
	[tilespmem:s25+$0xFFFFFFF0] =	vst v2;
	v2 =	vmul.f32 v5, v0  }
0x214: {  	v5 =	vld [tilespmem:s22+$0x10];
	[tilespmem:s25+$0x0] =	vst v4;
	v4 =	vmul.f32 v6, v0  }
0x215: {  	v9 =	vadd.f32 v7, v9;
	v8 =	vadd.f32 v10, v17;
	v6 =	vld [tilespmem:s22+$0x20];
	v7 =	vmul.f32 $1.220703130e-04, v18;
	[tilespmem:s25+$0x10] =	vst v2  }
0x216: {  	s24 =	sadd.s32 $0x80, s24;
	v10 =	vadd.f32 v22, v1;
	v1 =	vld.idx.msk [tilespmem:v11+s3+$0x0], $0xffff;
	[tilespmem:s25+$0x20] =	vst v4;
	s25 =	smov.u32 s28  }
0x217: {  	v4 =	vtrunc.f32 v9;
	v17 =	vtrunc.f32 v8;
	v12 =	vadd.f32 v20, v3;
	[tilespmem:s24+$0x30] =	vst v7;
	v2 =	vld.idx.msk [tilespmem:v13+s3+$0x0], $0xffff  }
0x218: {  	v11 =	vcvt.f32.s32 v4;
	v3 =	vtrunc.f32 v10;
	v16 =	vadd.f32 v25, v16;
	v22 =	vld.idx.msk [tilespmem:v27+s3+$0x0], $0xffff  }
.Ltmp5:
0x219: {  	v13 =	vcvt.f32.s32 v17;
	v4 =	vtrunc.f32 v12;
	v17 =	vadd.f32 v23, v5;
	v7 =	vld.idx.msk [tilespmem:v14+s3+$0x0], $0xffff;
	(pc) =	sbr.rel @p0 .LBB2_12-.Ltmp5, $4  }
0x21a: {  	v14 =	vcvt.f32.s32 v3;
	v5 =	vtrunc.f32 v16;
	v20 =	vadd.f32 v24, v6;
	v3 =	vld.idx.msk [tilespmem:v15+s3+$0x0], $0xffff  }
0x21b: {  	vm0 =	vlt.s32 v11, $0x1FFF;
	v15 =	vcvt.f32.s32 v4;
	v6 =	vtrunc.f32 v17;
	v4 =	vld.idx.msk [tilespmem:v19+s3+$0x0], $0xffff  }
0x21c: {  	vm1 =	vlt.s32 v13, $0x1FFF;
	v19 =	vcvt.f32.s32 v5;
	v18 =	vtrunc.f32 v20;
	v5 =	vld.idx.msk [tilespmem:v21+s3+$0x0], $0xffff  }
0x21d: {  	s4 =	sadd.s32 $0x80, s4;
	vm2 =	vlt.s32 v14, $0x1FFF;
	v21 =	vcvt.f32.s32 v6;
	v18 =	vcvt.f32.s32 v18;
	v6 =	vld.idx.msk [tilespmem:v26+s3+$0x0], $0xffff  }
0x21e: {  	v22 =	vmul.f32 v22, v0  }
0x21f: {  	v9 =	vmul.f32 $1.220703130e-04, v9;
	s4 =	sadd.s32 $0x80, s28  }
0x220: {  	v8 =	vmul.f32 $1.220703130e-04, v8;
	[tilespmem:s4+$0x30] =	vst v22  }
0x221: {  	v10 =	vmul.f32 $1.220703130e-04, v10;
	[tilespmem:s24+$0xFFFFFFC0] =	vst v9  }
0x222: {  	v40 =	vmul.f32 $1.220703130e-04, v12;
	[tilespmem:s24+$0xFFFFFFD0] =	vst v8  }
0x223: {  	v41 =	vmul.f32 $1.220703130e-04, v16;
	v11 =	vnsel vm0, $0x1FFF, v11;
	[tilespmem:s24+$0xFFFFFFE0] =	vst v10  }
0x224: {  	v42 =	vmul.f32 $1.220703130e-04, v17;
	v43 =	vnsel vm1, $0x1FFF, v13;
	[tilespmem:s24+$0xFFFFFFF0] =	vst v40  }
0x225: {  	vm12 =	vlt.s32 v15, $0x1FFF;
	v44 =	vmul.f32 $1.220703130e-04, v20;
	v45 =	vnsel vm2, $0x1FFF, v14;
	[tilespmem:s24+$0x0] =	vst v41  }
0x226: {  	vm13 =	vlt.s32 v19, $0x1FFF;
	v1 =	vmul.f32 v1, v0;
	v46 =	vnsel vm12, $0x1FFF, v15;
	[tilespmem:s24+$0x10] =	vst v42  }
0x227: {  	v2 =	vmul.f32 v2, v0;
	vm14 =	vlt.s32 v21, $0x1FFF;
	v47 =	vnsel vm13, $0x1FFF, v19;
	[tilespmem:s24+$0x20] =	vst v44  }
0x228: {  	v7 =	vmul.f32 v7, v0;
	vm15 =	vlt.s32 v18, $0x1FFF;
	v48 =	vnsel vm14, $0x1FFF, v21;
	[tilespmem:s25+$0xFFFFFFC0] =	vst v1;
	v49 =	vld.idx.msk [tilespmem:v11+s3+$0x0], $0xffff  }
0x229: {  	v51 =	vmul.f32 v3, v0;
	v50 =	vnsel vm15, $0x1FFF, v18;
	[tilespmem:s25+$0xFFFFFFD0] =	vst v2;
	v52 =	vld.idx.msk [tilespmem:v43+s3+$0x0], $0xffff  }
0x22a: {  	[tilespmem:s25+$0xFFFFFFE0] =	vst v7;
	v4 =	vmul.f32 v4, v0;
	v53 =	vld.idx.msk [tilespmem:v45+s3+$0x0], $0xffff  }
0x22b: {  	[tilespmem:s25+$0xFFFFFFF0] =	vst v51;
	v54 =	vmul.f32 v5, v0;
	v55 =	vld.idx.msk [tilespmem:v46+s3+$0x0], $0xffff  }
0x22c: {  	[tilespmem:s25+$0x0] =	vst v4;
	v56 =	vmul.f32 v6, v0;
	v57 =	vld.idx.msk [tilespmem:v47+s3+$0x0], $0xffff  }
0x22d: {  	[tilespmem:s25+$0x10] =	vst v54;
	v58 =	vld.idx.msk [tilespmem:v48+s3+$0x0], $0xffff;
	v1 =	vmul.f32 v49, v0  }
0x22e: {  	[tilespmem:s25+$0x20] =	vst v56;
	v59 =	vld.idx.msk [tilespmem:v50+s3+$0x0], $0xffff;
	v3 =	vmul.f32 v52, v0  }
0x22f: {  	v7 =	vmul.f32 v53, v0;
	[tilespmem:s4+$0xFFFFFFC0] =	vst v1  }
0x230: {  	v60 =	vmul.f32 v55, v0;
	[tilespmem:s4+$0xFFFFFFD0] =	vst v3  }
0x231: {  	v61 =	vmul.f32 v57, v0;
	[tilespmem:s4+$0xFFFFFFE0] =	vst v7  }
0x232: {  	v62 =	vmul.f32 v58, v0;
	[tilespmem:s4+$0xFFFFFFF0] =	vst v60  }
0x233: {  	v63 =	vmul.f32 v59, v0;
	[tilespmem:s4+$0x0] =	vst v61  }
0x234: {  	[tilespmem:s4+$0x10] =	vst v62  }
0x235: {  	[tilespmem:s4+$0x20] =	vst v63  }
0x236: {  	[hbm4b:s18+s3] =	stream.linear.scatter [tilespmem:s31], [sflag:$0x5], $0x2000, $0x38;
	[tilespmem:$0x12000] =	vst v63  }
0x237: {  	_ = 	snop  }
0x238: {  	[hbm4b:s19+s3] =	stream.linear.scatter [tilespmem:s0], [sflag:$0x5], $0x2000, $0x38;
	[tilespmem:$0x12000] =	vst v63  }
0x239: {  	_ =	swait.ge [sflag:s2], $0x2000  }
0x23a: {  	[sflag:s2] =	ssyncset.done $0x0  }
0x23b: {  	[sflag:s2] =	ssyncadd.s32 $0xFFFFE000  }
0x23c: {  	_ =	swait.ge [sflag:s2], $0x2000  }
0x23d: {  	[sflag:s2] =	ssyncset.done $0x0  }
0x23e: {  	s21 =	sadd.s32 $0x1, s21;
	[sflag:s2] =	ssyncadd.s32 $0xFFFFE000  }
0x23f: {  	p0 =	sne.s32 s21, s20;
	_ =	swait.ge [sflag:s1], $0x2000  }
.Ltmp6:
0x240: {  	[sflag:s1] =	ssyncset.done $0x0;
	(pc) =	sbr.rel @p0 .LBB2_1-.Ltmp6, $4  }
0x241: {  	[sflag:s1] =	ssyncadd.s32 $0xFFFFE000  }
0x242: {  	_ =	swait.ge [sflag:s1], $0x2000  }
0x243: {  	[sflag:s1] =	ssyncset.done $0x0  }
0x244: {  	[sflag:s1] =	ssyncadd.s32 $0xFFFFE000  }
0x245: {  	_ =	sfence.sel $0x180000  }
0x246: {  	[bflag:$0x0] =	sbarrier.arrive $0xFFFF  }
0x247: {  	_ =	strace $0x90000047  }
0x248: {  	s0 =	stileid.u32;
	[bflag:$0x2] =	sbarrier.arrive $0xFFFF  }
0x249: {  	p0 =	sne.s32 s0, $0x0;
	s0 =	rddreg [dreg:$0x5]  }
0x24a: {  	s0 =	sadd.s32 @!p0 $0x100000, s0  }
0x24b: {  	[sflag:s0] =	ssyncadd.tile.s32 @!p0 $0x1;
	_ =	shalt  }
.Lfunc_end2:
_tile_overlayer_lowered:
.L_overlay_start_2:
0x24c: {  	(tag) =	ssettag $0x2  }
0x24d: {  	s0 =	rddreg [dreg:$0x0];
	s2 =	stileid.u32  }
0x24e: {  	s1 =	rddreg [dreg:$0x1];
	p0 =	sne.s32 s2, $0x0  }
0x24f: {  	s3 =	rddreg [dreg:$0x2];
	[bflag:$0x3] =	sbarrier.arrive $0xFFFF;
	s2 =	simm.s32 @!p0 $0x1C06  }
0x250: {  	[timem:s3], [sflag:s2] =	dma.local @!p0 [hbm:s0], s1  }
0x251: {  	s0 =	simm.s32 @!p0 $0x6  }
0x252: {  	_ =	swait.ge @!p0 [sflag:s0], s1  }
0x253: {  	s1 =	ssub.s32 @!p0 $0x0, s1;
	[sflag:s0] =	ssyncset.done @!p0 $0x0  }
0x254: {  	[sflag:s0] =	ssyncadd.s32 @!p0 s1  }
0x255: {  	[bflag:$0x3] =	sbarrier.arrive $0xFFFF  }
0x256: {  	_ =	shalt  }

</sc_bundles>
